<compile_context>
chip_gen: v7x
topology: tpu7x:2x2x1
jax: 0.10.2.dev20260603
libtpu: 0.0.44.dev20260713+nightly
codegen_flags: <defaults>
</compile_context>

<pallas_src>
import functools

import jax
import jax.numpy as jnp
from jax import lax
from jax.experimental import pallas as pl
from jax.experimental.pallas import tpu as pltpu
from jax.experimental.pallas import tpu_sc as plsc

NH = 8
NP = 8
NZ = 4
HD = 32
EMB = 256
GRID_HW = 100
NQP = 10240
BQA = 512
BQC = 128


def _vproj_body(x_ref, wt_ref, b_ref, o_ref):
    o_ref[...] = (
        jnp.dot(x_ref[...], wt_ref[...], preferred_element_type=jnp.float32)
        + b_ref[...]
    )


def _vproj(x, w_t, b):
    m = x.shape[0]
    bm = 2000
    return pl.pallas_call(
        _vproj_body,
        grid=(m // bm,),
        in_specs=[
            pl.BlockSpec((bm, EMB), lambda i: (i, 0)),
            pl.BlockSpec((EMB, EMB), lambda i: (0, 0)),
            pl.BlockSpec((1, EMB), lambda i: (0, 0)),
        ],
        out_specs=pl.BlockSpec((bm, EMB), lambda i: (i, 0)),
        out_shape=jax.ShapeDtypeStruct((m, EMB), jnp.float32),
    )(x, w_t, b)


def _addr_body(qt_ref, refx_ref, refy_ref, wx_ref, bx_ref, wy_ref, by_ref,
               wa_ref, ba_ref, w_ref, idx_ref):
    b = pl.program_id(0)
    qt = qt_ref[...]
    offx = (
        jnp.dot(wx_ref[...], qt, preferred_element_type=jnp.float32)
        + bx_ref[...]
    )
    offy = (
        jnp.dot(wy_ref[...], qt, preferred_element_type=jnp.float32)
        + by_ref[...]
    )
    att = (
        jnp.dot(wa_ref[...], qt, preferred_element_type=jnp.float32)
        + ba_ref[...]
    )
    att3 = att.reshape(NH, NP, att.shape[-1])
    att3 = att3 - jnp.max(att3, axis=1, keepdims=True)
    att3 = jnp.exp(att3)
    att3 = att3 / jnp.sum(att3, axis=1, keepdims=True)
    att = att3.reshape(NH * NP, att.shape[-1])

    refx = jnp.broadcast_to(refx_ref[0][None], (NH * NP // NZ, NZ, BQA))
    refy = jnp.broadcast_to(refy_ref[0][None], (NH * NP // NZ, NZ, BQA))
    x = (refx.reshape(NH * NP, BQA) + offx) * float(GRID_HW) - 0.5
    y = (refy.reshape(NH * NP, BQA) + offy) * float(GRID_HW) - 0.5
    x0 = jnp.floor(x)
    y0 = jnp.floor(y)
    hrow = lax.broadcasted_iota(jnp.int32, (NH * NP, BQA), 0) // NP
    rowbase = (b * NH + hrow) * (GRID_HW * GRID_HW)
    ws = []
    idxs = []
    for dx, dy in ((0, 0), (1, 0), (0, 1), (1, 1)):
        xi = x0 + dx
        yi = y0 + dy
        wgt = (1.0 - jnp.abs(x - xi)) * (1.0 - jnp.abs(y - yi))
        valid = (
            (xi >= 0.0) & (xi < float(GRID_HW))
            & (yi >= 0.0) & (yi < float(GRID_HW))
        )
        ws.append(wgt * valid.astype(jnp.float32) * att)
        xic = jnp.clip(xi, 0.0, float(GRID_HW - 1)).astype(jnp.int32)
        yic = jnp.clip(yi, 0.0, float(GRID_HW - 1)).astype(jnp.int32)
        idxs.append(rowbase + yic * GRID_HW + xic)
    w_ref[0] = jnp.concatenate(ws, axis=0)
    idx_ref[0] = jnp.concatenate(idxs, axis=0)


def _addresses(qt, refxt, refyt, wx, bx, wy, by, wa, ba):
    nhist = refxt.shape[0]
    return pl.pallas_call(
        _addr_body,
        grid=(nhist, NQP // BQA),
        in_specs=[
            pl.BlockSpec((EMB, BQA), lambda b, i: (0, i)),
            pl.BlockSpec((1, NZ, BQA), lambda b, i: (b, 0, i)),
            pl.BlockSpec((1, NZ, BQA), lambda b, i: (b, 0, i)),
            pl.BlockSpec((NH * NP, EMB), lambda b, i: (0, 0)),
            pl.BlockSpec((NH * NP, 1), lambda b, i: (0, 0)),
            pl.BlockSpec((NH * NP, EMB), lambda b, i: (0, 0)),
            pl.BlockSpec((NH * NP, 1), lambda b, i: (0, 0)),
            pl.BlockSpec((NH * NP, EMB), lambda b, i: (0, 0)),
            pl.BlockSpec((NH * NP, 1), lambda b, i: (0, 0)),
        ],
        out_specs=[
            pl.BlockSpec((1, NH * NP * 4, BQA), lambda b, i: (b, 0, i)),
            pl.BlockSpec((1, NH * NP * 4, BQA), lambda b, i: (b, 0, i)),
        ],
        out_shape=[
            jax.ShapeDtypeStruct((nhist, NH * NP * 4, NQP), jnp.float32),
            jax.ShapeDtypeStruct((nhist, NH * NP * 4, NQP), jnp.int32),
        ],
    )(qt, refxt, refyt, wx, bx, wy, by, wa, ba)


def _sc_gather(vtab, idx_flat):
    nrows = idx_flat.shape[0]
    try:
        info = plsc.get_sparse_core_info()
        nc, ns = info.num_cores, info.num_subcores
    except Exception:
        nc, ns = 2, 16
    nw = nc * ns
    per_w = nrows // nw
    chunk = 128
    nf = 4
    iters = per_w // (chunk * nf)
    mesh = plsc.VectorSubcoreMesh(core_axis_name="c", subcore_axis_name="s")

    @functools.partial(
        pl.kernel,
        mesh=mesh,
        compiler_params=pltpu.CompilerParams(use_tc_tiling_on_sc=False),
        out_type=jax.ShapeDtypeStruct((nrows, HD), jnp.float32),
        scratch_types=[
            pltpu.VMEM((nf, chunk), jnp.int32),
            pltpu.VMEM((nf, chunk, HD), jnp.float32),
            pltpu.SemaphoreType.DMA,
        ],
    )
    def gather_kernel(vtab_hbm, idx_hbm, out_hbm, idx_v, rows_v, sem):
        wid = lax.axis_index("s") * nc + lax.axis_index("c")
        base = wid * per_w

        def body(i, carry):
            off = base + i * (chunk * nf)
            for j in range(nf):
                pltpu.sync_copy(idx_hbm.at[pl.ds(off + j * chunk, chunk)],
                                idx_v.at[j])
            copies = [
                pltpu.async_copy(vtab_hbm.at[idx_v.at[j]], rows_v.at[j], sem)
                for j in range(nf)
            ]
            for c in copies:
                c.wait()
            for j in range(nf):
                pltpu.sync_copy(rows_v.at[j],
                                out_hbm.at[pl.ds(off + j * chunk, chunk)])
            return carry

        lax.fori_loop(0, iters, body, 0)

    return gather_kernel(vtab, idx_flat)


def _combine_body(g_ref, w_ref, e_ref, qt_ref, wout_ref, bout_ref, o_ref):
    nhist = w_ref.shape[0]
    accs = []
    for bh in range(nhist):
        wexp = jnp.dot(w_ref[bh], e_ref[...], preferred_element_type=jnp.float32)
        prod = g_ref[bh] * wexp
        t = prod.reshape(4, NH * NP, BQC * HD).sum(axis=0)
        t = t.reshape(NH, NP, BQC * HD).sum(axis=1)
        accs.append(t)
    acc = (accs[0] + accs[1]) * 0.5
    a_t = acc.reshape(NH, BQC, HD)
    a_t = jnp.transpose(a_t, (0, 2, 1)).reshape(EMB, BQC)
    out_t = (
        jnp.dot(wout_ref[...], a_t, preferred_element_type=jnp.float32)
        + bout_ref[...]
    )
    o_ref[...] = out_t + qt_ref[...]


def _combine(g3, w3, expand, qt, wout, bout):
    nhist = w3.shape[0]
    return pl.pallas_call(
        _combine_body,
        grid=(NQP // BQC,),
        in_specs=[
            pl.BlockSpec((nhist, NH * NP * 4, BQC * HD), lambda i: (0, 0, i)),
            pl.BlockSpec((nhist, NH * NP * 4, BQC), lambda i: (0, 0, i)),
            pl.BlockSpec((BQC, BQC * HD), lambda i: (0, 0)),
            pl.BlockSpec((EMB, BQC), lambda i: (0, i)),
            pl.BlockSpec((EMB, EMB), lambda i: (0, 0)),
            pl.BlockSpec((EMB, 1), lambda i: (0, 0)),
        ],
        out_specs=pl.BlockSpec((EMB, BQC), lambda i: (0, i)),
        out_shape=jax.ShapeDtypeStruct((EMB, NQP), jnp.float32),
    )(g3, w3, expand, qt, wout, bout)


def kernel(query, value, reference_points, spatial_shapes,
           W_off, b_off, W_attn, b_attn, W_val, b_val, W_out, b_out):
    bs, nq, emb = query.shape
    nhist = value.shape[0]
    pad = NQP - nq

    ssf = spatial_shapes.astype(jnp.float32)
    wx = W_off[0::2] / ssf[0, 1]
    wy = W_off[1::2] / ssf[0, 0]
    bx = (b_off[0::2] / ssf[0, 1]).reshape(-1, 1)
    by = (b_off[1::2] / ssf[0, 0]).reshape(-1, 1)
    wa = W_attn
    ba = b_attn.reshape(-1, 1)

    qt = jnp.pad(query.reshape(nq, emb).T, ((0, 0), (0, pad)))
    refxt = jnp.pad(reference_points[..., 0].transpose(0, 2, 1),
                    ((0, 0), (0, 0), (0, pad)))
    refyt = jnp.pad(reference_points[..., 1].transpose(0, 2, 1),
                    ((0, 0), (0, 0), (0, pad)))

    v = _vproj(value.reshape(nhist * nq, emb), W_val.T, b_val.reshape(1, -1))
    vtab = (
        v.reshape(nhist, nq, NH, HD)
        .transpose(0, 2, 1, 3)
        .reshape(nhist * NH * nq, HD)
    )

    w3, idx3 = _addresses(qt, refxt, refyt, wx, bx, wy, by, wa, ba)

    g = _sc_gather(vtab, idx3.reshape(-1))

    g3 = g.reshape(nhist, NH * NP * 4, NQP * HD)
    expand = jnp.broadcast_to(
        jnp.eye(BQC, dtype=jnp.float32)[:, :, None], (BQC, BQC, HD)
    ).reshape(BQC, BQC * HD)
    out_t = _combine(g3, w3, expand, qt, W_out, b_out.reshape(-1, 1))
    return out_t[:, :nq].T.reshape(bs, nq, emb)

# --- scband reference (transcript-rebuilt; emitter-appended) ---
"""Pipeline reference for scband-bevmulti-history-cross-attention-37374805410492 (READ-ONLY COPY).

The authoritative reference and input builder live on the scoring server;
editing this copy changes nothing except your own understanding.
"""

import jax, jax.numpy as jnp
import numpy as np
import math

NUM_HEADS = 8
NUM_LEVELS = 1
NUM_POINTS = 8
EMBED = 256


def _init_params(key):
    k1, k2, k3 = jax.random.split(key, 3)
    W_off = jnp.zeros((NUM_HEADS * NUM_LEVELS * NUM_POINTS * 2, EMBED), jnp.float32)
    thetas = np.arange(NUM_HEADS, dtype=np.float32) * (2.0 * math.pi / NUM_HEADS)
    grid = np.stack([np.cos(thetas), np.sin(thetas)], -1)
    grid = grid / np.abs(grid).max(-1, keepdims=True)
    grid = np.tile(grid.reshape(NUM_HEADS, 1, 1, 2), (1, NUM_LEVELS, NUM_POINTS, 1))
    for i in range(NUM_POINTS):
        grid[:, :, i, :] *= i + 1
    b_off = jnp.asarray(grid.reshape(-1), jnp.float32)
    W_attn = jnp.zeros((NUM_HEADS * NUM_LEVELS * NUM_POINTS, EMBED), jnp.float32)
    b_attn = jax.random.uniform(k1, (NUM_HEADS * NUM_LEVELS * NUM_POINTS,), jnp.float32, minval=-0.0625, maxval=0.0625)
    xav = math.sqrt(6.0 / (EMBED + EMBED))
    W_val = jax.random.uniform(k2, (EMBED, EMBED), jnp.float32, minval=-xav, maxval=xav)
    b_val = jnp.zeros((EMBED,), jnp.float32)
    W_out = jax.random.uniform(k3, (EMBED, EMBED), jnp.float32, minval=-xav, maxval=xav)
    b_out = jnp.zeros((EMBED,), jnp.float32)
    return dict(W_off=W_off, b_off=b_off, W_attn=W_attn, b_attn=b_attn,
                W_val=W_val, b_val=b_val, W_out=W_out, b_out=b_out)


def setup_inputs(seed: int = 0) -> dict:
    key = jax.random.key(seed)
    kq, kv, kr, kp = jax.random.split(key, 4)
    inp = {
        "query": jax.random.normal(kq, (1, 10000, EMBED), jnp.float32),
        "value": jax.random.normal(kv, (2, 10000, EMBED), jnp.float32),
        "reference_points": jax.random.uniform(kr, (2, 10000, 4, 2), jnp.float32),
        "spatial_shapes": jnp.array([[100, 100]], jnp.int32),
    }
    inp.update(_init_params(kp))
    return inp


def grid_sample(img, grid):
    # img: [N, C, H, W]; grid: [N, Hg, Wg, 2] in [-1, 1] (x, y); bilinear,
    # padding_mode='zeros', align_corners=False (matches torch F.grid_sample)
    N, C, H, W = img.shape
    x = (grid[..., 0] + 1.0) * (W * 0.5) - 0.5
    y = (grid[..., 1] + 1.0) * (H * 0.5) - 0.5
    x0 = jnp.floor(x)
    y0 = jnp.floor(y)
    flat = img.reshape(N, C, H * W)
    out = jnp.zeros((N, C) + x.shape[1:], img.dtype)
    for dx, dy in ((0, 0), (1, 0), (0, 1), (1, 1)):
        xi = x0 + dx
        yi = y0 + dy
        wgt = (1.0 - jnp.abs(x - xi)) * (1.0 - jnp.abs(y - yi))
        valid = (xi >= 0) & (xi < W) & (yi >= 0) & (yi < H)
        xic = jnp.clip(xi, 0, W - 1).astype(jnp.int32)
        yic = jnp.clip(yi, 0, H - 1).astype(jnp.int32)
        idx = (yic * W + xic).reshape(N, -1)
        vals = jax.vmap(lambda f, i: f[:, i])(flat, idx)
        vals = vals.reshape((N, C) + x.shape[1:])
        out = out + vals * (wgt * valid.astype(img.dtype))[:, None]
    return out


def ms_deform_attn(value, spatial_shapes, loc, attn):
    # value: [bs, num_value, nh, d]; loc: [bs, nq, nh, nl, np, 2]; attn: [bs, nq, nh, nl, np]
    bs, _, nh, d = value.shape
    _, nq, _, nl, npt, _ = loc.shape
    ss_static = [(100, 100) for _ in range(spatial_shapes.shape[0])]
    grids = 2.0 * loc - 1.0
    outs = []
    start = 0
    for l in range(nl):
        h, w = ss_static[l]
        vl = value[:, start:start + h * w]
        start += h * w
        vl = jnp.transpose(vl, (0, 2, 3, 1)).reshape(bs * nh, d, h, w)
        g = jnp.transpose(grids[:, :, :, l], (0, 2, 1, 3, 4)).reshape(bs * nh, nq, npt, 2)
        outs.append(grid_sample(vl, g))
    aw = jnp.transpose(attn, (0, 2, 1, 3, 4)).reshape(bs * nh, 1, nq, nl * npt)
    sv = jnp.stack(outs, axis=-2).reshape(bs * nh, d, nq, nl * npt)
    out = (sv * aw).sum(-1).reshape(bs, nh * d, nq)
    return jnp.transpose(out, (0, 2, 1))


def reference(query, value, reference_points, spatial_shapes,
              W_off, b_off, W_attn, b_attn, W_val, b_val, W_out, b_out):
    bs, num_query, embed = query.shape
    Hh = reference_points.shape[0]
    residual = query
    q = jnp.broadcast_to(query[:, None], (bs, Hh, num_query, embed)).reshape(bs * Hh, num_query, embed)
    ref = jnp.broadcast_to(reference_points[None], (bs,) + reference_points.shape)
    ref = ref.reshape(bs * Hh, num_query, reference_points.shape[-2], 2)
    bsH = bs * Hh
    num_value = value.shape[1]
    v = value @ W_val.T + b_val
    v = v.reshape(bsH, num_value, NUM_HEADS, embed // NUM_HEADS)
    off = (q @ W_off.T + b_off).reshape(bsH, num_query, NUM_HEADS, NUM_LEVELS, NUM_POINTS, 2)
    attn = (q @ W_attn.T + b_attn).reshape(bsH, num_query, NUM_HEADS, NUM_LEVELS * NUM_POINTS)
    attn = jax.nn.softmax(attn, axis=-1).reshape(bsH, num_query, NUM_HEADS, NUM_LEVELS, NUM_POINTS)
    ssf = spatial_shapes.astype(jnp.float32)
    offset_normalizer = jnp.stack([ssf[..., 1], ssf[..., 0]], -1)
    nZ = ref.shape[-2]
    off = off / offset_normalizer[None, None, None, :, None, :]
    off = off.reshape(bsH, num_query, NUM_HEADS, NUM_LEVELS, NUM_POINTS // nZ, nZ, 2)
    loc = ref[:, :, None, None, None, :, :] + off
    loc = loc.reshape(bsH, num_query, NUM_HEADS, NUM_LEVELS, NUM_POINTS, 2)
    out = ms_deform_attn(v, spatial_shapes, loc, attn)
    out = jnp.transpose(out, (1, 2, 0)).reshape(num_query, embed, 1, bsH).mean(-1)
    out = jnp.transpose(out, (2, 0, 1))
    out = out @ W_out.T + b_out
    return out + residual

if __name__ == "__main__":
    import jax
    _d = setup_inputs()
    print(jax.jit(kernel)(*tuple(_d.values())))

</pallas_src>

<mosaic_0001>
#map = affine_map<(d0, d1) -> (0, 0)>
#map1 = affine_map<(d0, d1) -> (0)>
module attributes {stable_mosaic.version = 14 : i64} {
  func.func @gather_kernel(%arg0: i32, %arg1: i32, %arg2: memref<160000x32xf32, #tpu.memory_space<hbm>>, %arg3: memref<5242880xi32, #tpu.memory_space<hbm>>, %arg4: memref<5242880x32xf32, #tpu.memory_space<hbm>>, %arg5: memref<4x128xi32, #tpu.memory_space<vmem>>, %arg6: memref<4x128x32xf32, #tpu.memory_space<vmem>>, %arg7: memref<!tpu.dma_semaphore, #tpu.memory_space<semaphore_mem>>) attributes {dimension_semantics = [#tpu.dimension_semantics<core_parallel>, #tpu.dimension_semantics<subcore_parallel>], iteration_bounds = array<i64: 2, 16>, scalar_prefetch = 0 : i64, scratch_operands = 3 : i64, tpu.core_type = #tpu.core_type<sc_vector_subcore>, window_params = [{transform_indices = #map}, {transform_indices = #map1}, {transform_indices = #map}]} {
    %mul3A = arith.constant 2 : i32
    %mul3A_0 = arith.muli %arg1, %mul3A : i32
    %add3A = arith.addi %mul3A_0, %arg0 : i32
    %mul3A_1 = arith.constant 163840 : i32
    %mul3A_2 = arith.muli %add3A, %mul3A_1 : i32
    %scan3A = arith.constant 0 : i32
    %scan3A_3 = arith.constant 0 : i32
    %scan3A_4 = arith.constant 320 : i32
    %scan3A_5 = arith.addi %scan3A_3, %scan3A_4 : i32
    %scan3A_6 = arith.constant 1 : i32
    scf.for %scan3A_8 = %scan3A_3 to %scan3A_5 step %scan3A_6  : i32 {
      %mul3A_9 = arith.constant 512 : i32
      %mul3A_10 = arith.muli %scan3A_8, %mul3A_9 : i32
      %add3A_11 = arith.addi %mul3A_2, %mul3A_10 : i32
      %add3A_12 = arith.constant 0 : i32
      %add3A_13 = arith.addi %add3A_11, %add3A_12 : i32
      %run_scoped3A = arith.constant 0 : i32
      "tpu.region"() ({
        %run_scoped3A_129 = tpu.sem_alloc : memref<!tpu.dma_semaphore, #tpu.memory_space<semaphore_mem>>
        %dma_start3A_130 = arith.constant 0 : i32
        %dma_start3A_131 = tpu.memref_slice %arg5[%run_scoped3A, %dma_start3A_130] : memref<4x128xi32, #tpu.memory_space<vmem>> -> memref<1x128xi32, #tpu.memory_space<vmem>>
        %dma_start3A_132 = tpu.memref_squeeze %dma_start3A_131 : memref<1x128xi32, #tpu.memory_space<vmem>> -> memref<128xi32, #tpu.memory_space<vmem>>
        %dma_start3A_133 = tpu.memref_slice %arg3[%add3A_13] : memref<5242880xi32, #tpu.memory_space<hbm>> -> memref<128xi32, #tpu.memory_space<hbm>>
        %dma_start3A_134 = arith.constant 0 : i32
        %dma_start3A_135 = tpu.memref_slice %arg5[%run_scoped3A, %dma_start3A_134] : memref<4x128xi32, #tpu.memory_space<vmem>> -> memref<1x128xi32, #tpu.memory_space<vmem>>
        %dma_start3A_136 = tpu.memref_squeeze %dma_start3A_135 : memref<1x128xi32, #tpu.memory_space<vmem>> -> memref<128xi32, #tpu.memory_space<vmem>>
        %dma_start3A_137 = tpu.memref_slice %arg3[%add3A_13] : memref<5242880xi32, #tpu.memory_space<hbm>> -> memref<128xi32, #tpu.memory_space<hbm>>
        tpu.enqueue_dma source(%dma_start3A_137 : memref<128xi32, #tpu.memory_space<hbm>>) target(%dma_start3A_136 : memref<128xi32, #tpu.memory_space<vmem>>) target_semaphore(%run_scoped3A_129 : memref<!tpu.dma_semaphore, #tpu.memory_space<semaphore_mem>>)
        %dma_wait3A_138 = arith.constant 0 : i32
        %dma_wait3A_139 = tpu.memref_slice %arg5[%run_scoped3A, %dma_wait3A_138] : memref<4x128xi32, #tpu.memory_space<vmem>> -> memref<1x128xi32, #tpu.memory_space<vmem>>
        %dma_wait3A_140 = tpu.memref_squeeze %dma_wait3A_139 : memref<1x128xi32, #tpu.memory_space<vmem>> -> memref<128xi32, #tpu.memory_space<vmem>>
        %dma_wait3A_141 = tpu.memref_slice %arg3[%add3A_13] : memref<5242880xi32, #tpu.memory_space<hbm>> -> memref<128xi32, #tpu.memory_space<hbm>>
        %dma_wait3A_142 = arith.constant 0 : i32
        %dma_wait3A_143 = tpu.memref_slice %arg5[%run_scoped3A, %dma_wait3A_142] : memref<4x128xi32, #tpu.memory_space<vmem>> -> memref<1x128xi32, #tpu.memory_space<vmem>>
        %dma_wait3A_144 = tpu.memref_squeeze %dma_wait3A_143 : memref<1x128xi32, #tpu.memory_space<vmem>> -> memref<128xi32, #tpu.memory_space<vmem>>
        %dma_wait3A_145 = tpu.memref_slice %arg3[%add3A_13] : memref<5242880xi32, #tpu.memory_space<hbm>> -> memref<128xi32, #tpu.memory_space<hbm>>
        tpu.wait_dma2 semaphore(%run_scoped3A_129 : memref<!tpu.dma_semaphore, #tpu.memory_space<semaphore_mem>>) src(%dma_wait3A_145 : memref<128xi32, #tpu.memory_space<hbm>>) dst(%dma_wait3A_144 : memref<128xi32, #tpu.memory_space<vmem>>)
        tpu.yield
      }) : () -> ()
      %add3A_14 = arith.constant 128 : i32
      %add3A_15 = arith.addi %add3A_11, %add3A_14 : i32
      %run_scoped3A_16 = arith.constant 1 : i32
      "tpu.region"() ({
        %run_scoped3A_129 = tpu.sem_alloc : memref<!tpu.dma_semaphore, #tpu.memory_space<semaphore_mem>>
        %dma_start3A_130 = arith.constant 0 : i32
        %dma_start3A_131 = tpu.memref_slice %arg5[%run_scoped3A_16, %dma_start3A_130] : memref<4x128xi32, #tpu.memory_space<vmem>> -> memref<1x128xi32, #tpu.memory_space<vmem>>
        %dma_start3A_132 = tpu.memref_squeeze %dma_start3A_131 : memref<1x128xi32, #tpu.memory_space<vmem>> -> memref<128xi32, #tpu.memory_space<vmem>>
        %dma_start3A_133 = tpu.memref_slice %arg3[%add3A_15] : memref<5242880xi32, #tpu.memory_space<hbm>> -> memref<128xi32, #tpu.memory_space<hbm>>
        %dma_start3A_134 = arith.constant 0 : i32
        %dma_start3A_135 = tpu.memref_slice %arg5[%run_scoped3A_16, %dma_start3A_134] : memref<4x128xi32, #tpu.memory_space<vmem>> -> memref<1x128xi32, #tpu.memory_space<vmem>>
        %dma_start3A_136 = tpu.memref_squeeze %dma_start3A_135 : memref<1x128xi32, #tpu.memory_space<vmem>> -> memref<128xi32, #tpu.memory_space<vmem>>
        %dma_start3A_137 = tpu.memref_slice %arg3[%add3A_15] : memref<5242880xi32, #tpu.memory_space<hbm>> -> memref<128xi32, #tpu.memory_space<hbm>>
        tpu.enqueue_dma source(%dma_start3A_137 : memref<128xi32, #tpu.memory_space<hbm>>) target(%dma_start3A_136 : memref<128xi32, #tpu.memory_space<vmem>>) target_semaphore(%run_scoped3A_129 : memref<!tpu.dma_semaphore, #tpu.memory_space<semaphore_mem>>)
        %dma_wait3A_138 = arith.constant 0 : i32
        %dma_wait3A_139 = tpu.memref_slice %arg5[%run_scoped3A_16, %dma_wait3A_138] : memref<4x128xi32, #tpu.memory_space<vmem>> -> memref<1x128xi32, #tpu.memory_space<vmem>>
        %dma_wait3A_140 = tpu.memref_squeeze %dma_wait3A_139 : memref<1x128xi32, #tpu.memory_space<vmem>> -> memref<128xi32, #tpu.memory_space<vmem>>
        %dma_wait3A_141 = tpu.memref_slice %arg3[%add3A_15] : memref<5242880xi32, #tpu.memory_space<hbm>> -> memref<128xi32, #tpu.memory_space<hbm>>
        %dma_wait3A_142 = arith.constant 0 : i32
        %dma_wait3A_143 = tpu.memref_slice %arg5[%run_scoped3A_16, %dma_wait3A_142] : memref<4x128xi32, #tpu.memory_space<vmem>> -> memref<1x128xi32, #tpu.memory_space<vmem>>
        %dma_wait3A_144 = tpu.memref_squeeze %dma_wait3A_143 : memref<1x128xi32, #tpu.memory_space<vmem>> -> memref<128xi32, #tpu.memory_space<vmem>>
        %dma_wait3A_145 = tpu.memref_slice %arg3[%add3A_15] : memref<5242880xi32, #tpu.memory_space<hbm>> -> memref<128xi32, #tpu.memory_space<hbm>>
        tpu.wait_dma2 semaphore(%run_scoped3A_129 : memref<!tpu.dma_semaphore, #tpu.memory_space<semaphore_mem>>) src(%dma_wait3A_145 : memref<128xi32, #tpu.memory_space<hbm>>) dst(%dma_wait3A_144 : memref<128xi32, #tpu.memory_space<vmem>>)
        tpu.yield
      }) : () -> ()
      %add3A_17 = arith.constant 256 : i32
      %add3A_18 = arith.addi %add3A_11, %add3A_17 : i32
      %run_scoped3A_19 = arith.constant 2 : i32
      "tpu.region"() ({
        %run_scoped3A_129 = tpu.sem_alloc : memref<!tpu.dma_semaphore, #tpu.memory_space<semaphore_mem>>
        %dma_start3A_130 = arith.constant 0 : i32
        %dma_start3A_131 = tpu.memref_slice %arg5[%run_scoped3A_19, %dma_start3A_130] : memref<4x128xi32, #tpu.memory_space<vmem>> -> memref<1x128xi32, #tpu.memory_space<vmem>>
        %dma_start3A_132 = tpu.memref_squeeze %dma_start3A_131 : memref<1x128xi32, #tpu.memory_space<vmem>> -> memref<128xi32, #tpu.memory_space<vmem>>
        %dma_start3A_133 = tpu.memref_slice %arg3[%add3A_18] : memref<5242880xi32, #tpu.memory_space<hbm>> -> memref<128xi32, #tpu.memory_space<hbm>>
        %dma_start3A_134 = arith.constant 0 : i32
        %dma_start3A_135 = tpu.memref_slice %arg5[%run_scoped3A_19, %dma_start3A_134] : memref<4x128xi32, #tpu.memory_space<vmem>> -> memref<1x128xi32, #tpu.memory_space<vmem>>
        %dma_start3A_136 = tpu.memref_squeeze %dma_start3A_135 : memref<1x128xi32, #tpu.memory_space<vmem>> -> memref<128xi32, #tpu.memory_space<vmem>>
        %dma_start3A_137 = tpu.memref_slice %arg3[%add3A_18] : memref<5242880xi32, #tpu.memory_space<hbm>> -> memref<128xi32, #tpu.memory_space<hbm>>
        tpu.enqueue_dma source(%dma_start3A_137 : memref<128xi32, #tpu.memory_space<hbm>>) target(%dma_start3A_136 : memref<128xi32, #tpu.memory_space<vmem>>) target_semaphore(%run_scoped3A_129 : memref<!tpu.dma_semaphore, #tpu.memory_space<semaphore_mem>>)
        %dma_wait3A_138 = arith.constant 0 : i32
        %dma_wait3A_139 = tpu.memref_slice %arg5[%run_scoped3A_19, %dma_wait3A_138] : memref<4x128xi32, #tpu.memory_space<vmem>> -> memref<1x128xi32, #tpu.memory_space<vmem>>
        %dma_wait3A_140 = tpu.memref_squeeze %dma_wait3A_139 : memref<1x128xi32, #tpu.memory_space<vmem>> -> memref<128xi32, #tpu.memory_space<vmem>>
        %dma_wait3A_141 = tpu.memref_slice %arg3[%add3A_18] : memref<5242880xi32, #tpu.memory_space<hbm>> -> memref<128xi32, #tpu.memory_space<hbm>>
        %dma_wait3A_142 = arith.constant 0 : i32
        %dma_wait3A_143 = tpu.memref_slice %arg5[%run_scoped3A_19, %dma_wait3A_142] : memref<4x128xi32, #tpu.memory_space<vmem>> -> memref<1x128xi32, #tpu.memory_space<vmem>>
        %dma_wait3A_144 = tpu.memref_squeeze %dma_wait3A_143 : memref<1x128xi32, #tpu.memory_space<vmem>> -> memref<128xi32, #tpu.memory_space<vmem>>
        %dma_wait3A_145 = tpu.memref_slice %arg3[%add3A_18] : memref<5242880xi32, #tpu.memory_space<hbm>> -> memref<128xi32, #tpu.memory_space<hbm>>
        tpu.wait_dma2 semaphore(%run_scoped3A_129 : memref<!tpu.dma_semaphore, #tpu.memory_space<semaphore_mem>>) src(%dma_wait3A_145 : memref<128xi32, #tpu.memory_space<hbm>>) dst(%dma_wait3A_144 : memref<128xi32, #tpu.memory_space<vmem>>)
        tpu.yield
      }) : () -> ()
      %add3A_20 = arith.constant 384 : i32
      %add3A_21 = arith.addi %add3A_11, %add3A_20 : i32
      %run_scoped3A_22 = arith.constant 3 : i32
      "tpu.region"() ({
        %run_scoped3A_129 = tpu.sem_alloc : memref<!tpu.dma_semaphore, #tpu.memory_space<semaphore_mem>>
        %dma_start3A_130 = arith.constant 0 : i32
        %dma_start3A_131 = tpu.memref_slice %arg5[%run_scoped3A_22, %dma_start3A_130] : memref<4x128xi32, #tpu.memory_space<vmem>> -> memref<1x128xi32, #tpu.memory_space<vmem>>
        %dma_start3A_132 = tpu.memref_squeeze %dma_start3A_131 : memref<1x128xi32, #tpu.memory_space<vmem>> -> memref<128xi32, #tpu.memory_space<vmem>>
        %dma_start3A_133 = tpu.memref_slice %arg3[%add3A_21] : memref<5242880xi32, #tpu.memory_space<hbm>> -> memref<128xi32, #tpu.memory_space<hbm>>
        %dma_start3A_134 = arith.constant 0 : i32
        %dma_start3A_135 = tpu.memref_slice %arg5[%run_scoped3A_22, %dma_start3A_134] : memref<4x128xi32, #tpu.memory_space<vmem>> -> memref<1x128xi32, #tpu.memory_space<vmem>>
        %dma_start3A_136 = tpu.memref_squeeze %dma_start3A_135 : memref<1x128xi32, #tpu.memory_space<vmem>> -> memref<128xi32, #tpu.memory_space<vmem>>
        %dma_start3A_137 = tpu.memref_slice %arg3[%add3A_21] : memref<5242880xi32, #tpu.memory_space<hbm>> -> memref<128xi32, #tpu.memory_space<hbm>>
        tpu.enqueue_dma source(%dma_start3A_137 : memref<128xi32, #tpu.memory_space<hbm>>) target(%dma_start3A_136 : memref<128xi32, #tpu.memory_space<vmem>>) target_semaphore(%run_scoped3A_129 : memref<!tpu.dma_semaphore, #tpu.memory_space<semaphore_mem>>)
        %dma_wait3A_138 = arith.constant 0 : i32
        %dma_wait3A_139 = tpu.memref_slice %arg5[%run_scoped3A_22, %dma_wait3A_138] : memref<4x128xi32, #tpu.memory_space<vmem>> -> memref<1x128xi32, #tpu.memory_space<vmem>>
        %dma_wait3A_140 = tpu.memref_squeeze %dma_wait3A_139 : memref<1x128xi32, #tpu.memory_space<vmem>> -> memref<128xi32, #tpu.memory_space<vmem>>
        %dma_wait3A_141 = tpu.memref_slice %arg3[%add3A_21] : memref<5242880xi32, #tpu.memory_space<hbm>> -> memref<128xi32, #tpu.memory_space<hbm>>
        %dma_wait3A_142 = arith.constant 0 : i32
        %dma_wait3A_143 = tpu.memref_slice %arg5[%run_scoped3A_22, %dma_wait3A_142] : memref<4x128xi32, #tpu.memory_space<vmem>> -> memref<1x128xi32, #tpu.memory_space<vmem>>
        %dma_wait3A_144 = tpu.memref_squeeze %dma_wait3A_143 : memref<1x128xi32, #tpu.memory_space<vmem>> -> memref<128xi32, #tpu.memory_space<vmem>>
        %dma_wait3A_145 = tpu.memref_slice %arg3[%add3A_21] : memref<5242880xi32, #tpu.memory_space<hbm>> -> memref<128xi32, #tpu.memory_space<hbm>>
        tpu.wait_dma2 semaphore(%run_scoped3A_129 : memref<!tpu.dma_semaphore, #tpu.memory_space<semaphore_mem>>) src(%dma_wait3A_145 : memref<128xi32, #tpu.memory_space<hbm>>) dst(%dma_wait3A_144 : memref<128xi32, #tpu.memory_space<vmem>>)
        tpu.yield
      }) : () -> ()
      %dma_start3A = arith.constant 0 : i32
      %dma_start3A_23 = arith.constant 0 : i32
      %dma_start3A_24 = arith.constant 0 : i32
      %dma_start3A_25 = arith.constant 0 : i32
      %dma_start3A_26 = tpu.memref_slice %arg6[%dma_start3A_23, %dma_start3A_24, %dma_start3A_25] : memref<4x128x32xf32, #tpu.memory_space<vmem>> -> memref<1x128x32xf32, #tpu.memory_space<vmem>>
      %dma_start3A_27 = tpu.memref_squeeze %dma_start3A_26 : memref<1x128x32xf32, #tpu.memory_space<vmem>> -> memref<128x32xf32, #tpu.memory_space<vmem>>
      %dma_start3A_28 = arith.constant 0 : i32
      %dma_start3A_29 = tpu.memref_slice %arg5[%dma_start3A, %dma_start3A_28] : memref<4x128xi32, #tpu.memory_space<vmem>> -> memref<1x128xi32, #tpu.memory_space<vmem>>
      %dma_start3A_30 = tpu.memref_squeeze %dma_start3A_29 : memref<1x128xi32, #tpu.memory_space<vmem>> -> memref<128xi32, #tpu.memory_space<vmem>>
      %dma_start3A_31 = arith.constant 0 : i32
      %dma_start3A_32 = arith.constant 0 : i32
      %dma_start3A_33 = tpu.memref_slice %arg2[%dma_start3A_31, %dma_start3A_32] : memref<160000x32xf32, #tpu.memory_space<hbm>> -> memref<160000x32xf32, #tpu.memory_space<hbm>>
      tpu.enqueue_indirect_dma source(%dma_start3A_33 : memref<160000x32xf32, #tpu.memory_space<hbm>>) target(%dma_start3A_27 : memref<128x32xf32, #tpu.memory_space<vmem>>) offsets(%dma_start3A_30 : memref<128xi32, #tpu.memory_space<vmem>>) semaphore(%arg7 : memref<!tpu.dma_semaphore, #tpu.memory_space<semaphore_mem>>)
      %dma_start3A_34 = arith.constant 1 : i32
      %dma_start3A_35 = arith.constant 1 : i32
      %dma_start3A_36 = arith.constant 0 : i32
      %dma_start3A_37 = arith.constant 0 : i32
      %dma_start3A_38 = tpu.memref_slice %arg6[%dma_start3A_35, %dma_start3A_36, %dma_start3A_37] : memref<4x128x32xf32, #tpu.memory_space<vmem>> -> memref<1x128x32xf32, #tpu.memory_space<vmem>>
      %dma_start3A_39 = tpu.memref_squeeze %dma_start3A_38 : memref<1x128x32xf32, #tpu.memory_space<vmem>> -> memref<128x32xf32, #tpu.memory_space<vmem>>
      %dma_start3A_40 = arith.constant 0 : i32
      %dma_start3A_41 = tpu.memref_slice %arg5[%dma_start3A_34, %dma_start3A_40] : memref<4x128xi32, #tpu.memory_space<vmem>> -> memref<1x128xi32, #tpu.memory_space<vmem>>
      %dma_start3A_42 = tpu.memref_squeeze %dma_start3A_41 : memref<1x128xi32, #tpu.memory_space<vmem>> -> memref<128xi32, #tpu.memory_space<vmem>>
      %dma_start3A_43 = arith.constant 0 : i32
      %dma_start3A_44 = arith.constant 0 : i32
      %dma_start3A_45 = tpu.memref_slice %arg2[%dma_start3A_43, %dma_start3A_44] : memref<160000x32xf32, #tpu.memory_space<hbm>> -> memref<160000x32xf32, #tpu.memory_space<hbm>>
      tpu.enqueue_indirect_dma source(%dma_start3A_45 : memref<160000x32xf32, #tpu.memory_space<hbm>>) target(%dma_start3A_39 : memref<128x32xf32, #tpu.memory_space<vmem>>) offsets(%dma_start3A_42 : memref<128xi32, #tpu.memory_space<vmem>>) semaphore(%arg7 : memref<!tpu.dma_semaphore, #tpu.memory_space<semaphore_mem>>)
      %dma_start3A_46 = arith.constant 2 : i32
      %dma_start3A_47 = arith.constant 2 : i32
      %dma_start3A_48 = arith.constant 0 : i32
      %dma_start3A_49 = arith.constant 0 : i32
      %dma_start3A_50 = tpu.memref_slice %arg6[%dma_start3A_47, %dma_start3A_48, %dma_start3A_49] : memref<4x128x32xf32, #tpu.memory_space<vmem>> -> memref<1x128x32xf32, #tpu.memory_space<vmem>>
      %dma_start3A_51 = tpu.memref_squeeze %dma_start3A_50 : memref<1x128x32xf32, #tpu.memory_space<vmem>> -> memref<128x32xf32, #tpu.memory_space<vmem>>
      %dma_start3A_52 = arith.constant 0 : i32
      %dma_start3A_53 = tpu.memref_slice %arg5[%dma_start3A_46, %dma_start3A_52] : memref<4x128xi32, #tpu.memory_space<vmem>> -> memref<1x128xi32, #tpu.memory_space<vmem>>
      %dma_start3A_54 = tpu.memref_squeeze %dma_start3A_53 : memref<1x128xi32, #tpu.memory_space<vmem>> -> memref<128xi32, #tpu.memory_space<vmem>>
      %dma_start3A_55 = arith.constant 0 : i32
      %dma_start3A_56 = arith.constant 0 : i32
      %dma_start3A_57 = tpu.memref_slice %arg2[%dma_start3A_55, %dma_start3A_56] : memref<160000x32xf32, #tpu.memory_space<hbm>> -> memref<160000x32xf32, #tpu.memory_space<hbm>>
      tpu.enqueue_indirect_dma source(%dma_start3A_57 : memref<160000x32xf32, #tpu.memory_space<hbm>>) target(%dma_start3A_51 : memref<128x32xf32, #tpu.memory_space<vmem>>) offsets(%dma_start3A_54 : memref<128xi32, #tpu.memory_space<vmem>>) semaphore(%arg7 : memref<!tpu.dma_semaphore, #tpu.memory_space<semaphore_mem>>)
      %dma_start3A_58 = arith.constant 3 : i32
      %dma_start3A_59 = arith.constant 3 : i32
      %dma_start3A_60 = arith.constant 0 : i32
      %dma_start3A_61 = arith.constant 0 : i32
      %dma_start3A_62 = tpu.memref_slice %arg6[%dma_start3A_59, %dma_start3A_60, %dma_start3A_61] : memref<4x128x32xf32, #tpu.memory_space<vmem>> -> memref<1x128x32xf32, #tpu.memory_space<vmem>>
      %dma_start3A_63 = tpu.memref_squeeze %dma_start3A_62 : memref<1x128x32xf32, #tpu.memory_space<vmem>> -> memref<128x32xf32, #tpu.memory_space<vmem>>
      %dma_start3A_64 = arith.constant 0 : i32
      %dma_start3A_65 = tpu.memref_slice %arg5[%dma_start3A_58, %dma_start3A_64] : memref<4x128xi32, #tpu.memory_space<vmem>> -> memref<1x128xi32, #tpu.memory_space<vmem>>
      %dma_start3A_66 = tpu.memref_squeeze %dma_start3A_65 : memref<1x128xi32, #tpu.memory_space<vmem>> -> memref<128xi32, #tpu.memory_space<vmem>>
      %dma_start3A_67 = arith.constant 0 : i32
      %dma_start3A_68 = arith.constant 0 : i32
      %dma_start3A_69 = tpu.memref_slice %arg2[%dma_start3A_67, %dma_start3A_68] : memref<160000x32xf32, #tpu.memory_space<hbm>> -> memref<160000x32xf32, #tpu.memory_space<hbm>>
      tpu.enqueue_indirect_dma source(%dma_start3A_69 : memref<160000x32xf32, #tpu.memory_space<hbm>>) target(%dma_start3A_63 : memref<128x32xf32, #tpu.memory_space<vmem>>) offsets(%dma_start3A_66 : memref<128xi32, #tpu.memory_space<vmem>>) semaphore(%arg7 : memref<!tpu.dma_semaphore, #tpu.memory_space<semaphore_mem>>)
      %dma_wait3A = arith.constant 0 : i32
      %dma_wait3A_70 = arith.constant 0 : i32
      %dma_wait3A_71 = arith.constant 0 : i32
      %dma_wait3A_72 = arith.constant 0 : i32
      %dma_wait3A_73 = tpu.memref_slice %arg6[%dma_wait3A_70, %dma_wait3A_71, %dma_wait3A_72] : memref<4x128x32xf32, #tpu.memory_space<vmem>> -> memref<1x128x32xf32, #tpu.memory_space<vmem>>
      %dma_wait3A_74 = tpu.memref_squeeze %dma_wait3A_73 : memref<1x128x32xf32, #tpu.memory_space<vmem>> -> memref<128x32xf32, #tpu.memory_space<vmem>>
      %dma_wait3A_75 = arith.constant 0 : i32
      %dma_wait3A_76 = tpu.memref_slice %arg5[%dma_wait3A, %dma_wait3A_75] : memref<4x128xi32, #tpu.memory_space<vmem>> -> memref<1x128xi32, #tpu.memory_space<vmem>>
      %dma_wait3A_77 = tpu.memref_squeeze %dma_wait3A_76 : memref<1x128xi32, #tpu.memory_space<vmem>> -> memref<128xi32, #tpu.memory_space<vmem>>
      %dma_wait3A_78 = arith.constant 0 : i32
      %dma_wait3A_79 = arith.constant 0 : i32
      %dma_wait3A_80 = tpu.memref_slice %arg2[%dma_wait3A_78, %dma_wait3A_79] : memref<160000x32xf32, #tpu.memory_space<hbm>> -> memref<160000x32xf32, #tpu.memory_space<hbm>>
      tpu.wait_indirect_dma semaphore(%arg7 : memref<!tpu.dma_semaphore, #tpu.memory_space<semaphore_mem>>) src(%dma_wait3A_80 : memref<160000x32xf32, #tpu.memory_space<hbm>>) dst(%dma_wait3A_74 : memref<128x32xf32, #tpu.memory_space<vmem>>)
      %dma_wait3A_81 = arith.constant 1 : i32
      %dma_wait3A_82 = arith.constant 1 : i32
      %dma_wait3A_83 = arith.constant 0 : i32
      %dma_wait3A_84 = arith.constant 0 : i32
      %dma_wait3A_85 = tpu.memref_slice %arg6[%dma_wait3A_82, %dma_wait3A_83, %dma_wait3A_84] : memref<4x128x32xf32, #tpu.memory_space<vmem>> -> memref<1x128x32xf32, #tpu.memory_space<vmem>>
      %dma_wait3A_86 = tpu.memref_squeeze %dma_wait3A_85 : memref<1x128x32xf32, #tpu.memory_space<vmem>> -> memref<128x32xf32, #tpu.memory_space<vmem>>
      %dma_wait3A_87 = arith.constant 0 : i32
      %dma_wait3A_88 = tpu.memref_slice %arg5[%dma_wait3A_81, %dma_wait3A_87] : memref<4x128xi32, #tpu.memory_space<vmem>> -> memref<1x128xi32, #tpu.memory_space<vmem>>
      %dma_wait3A_89 = tpu.memref_squeeze %dma_wait3A_88 : memref<1x128xi32, #tpu.memory_space<vmem>> -> memref<128xi32, #tpu.memory_space<vmem>>
      %dma_wait3A_90 = arith.constant 0 : i32
      %dma_wait3A_91 = arith.constant 0 : i32
      %dma_wait3A_92 = tpu.memref_slice %arg2[%dma_wait3A_90, %dma_wait3A_91] : memref<160000x32xf32, #tpu.memory_space<hbm>> -> memref<160000x32xf32, #tpu.memory_space<hbm>>
      tpu.wait_indirect_dma semaphore(%arg7 : memref<!tpu.dma_semaphore, #tpu.memory_space<semaphore_mem>>) src(%dma_wait3A_92 : memref<160000x32xf32, #tpu.memory_space<hbm>>) dst(%dma_wait3A_86 : memref<128x32xf32, #tpu.memory_space<vmem>>)
      %dma_wait3A_93 = arith.constant 2 : i32
      %dma_wait3A_94 = arith.constant 2 : i32
      %dma_wait3A_95 = arith.constant 0 : i32
      %dma_wait3A_96 = arith.constant 0 : i32
      %dma_wait3A_97 = tpu.memref_slice %arg6[%dma_wait3A_94, %dma_wait3A_95, %dma_wait3A_96] : memref<4x128x32xf32, #tpu.memory_space<vmem>> -> memref<1x128x32xf32, #tpu.memory_space<vmem>>
      %dma_wait3A_98 = tpu.memref_squeeze %dma_wait3A_97 : memref<1x128x32xf32, #tpu.memory_space<vmem>> -> memref<128x32xf32, #tpu.memory_space<vmem>>
      %dma_wait3A_99 = arith.constant 0 : i32
      %dma_wait3A_100 = tpu.memref_slice %arg5[%dma_wait3A_93, %dma_wait3A_99] : memref<4x128xi32, #tpu.memory_space<vmem>> -> memref<1x128xi32, #tpu.memory_space<vmem>>
      %dma_wait3A_101 = tpu.memref_squeeze %dma_wait3A_100 : memref<1x128xi32, #tpu.memory_space<vmem>> -> memref<128xi32, #tpu.memory_space<vmem>>
      %dma_wait3A_102 = arith.constant 0 : i32
      %dma_wait3A_103 = arith.constant 0 : i32
      %dma_wait3A_104 = tpu.memref_slice %arg2[%dma_wait3A_102, %dma_wait3A_103] : memref<160000x32xf32, #tpu.memory_space<hbm>> -> memref<160000x32xf32, #tpu.memory_space<hbm>>
      tpu.wait_indirect_dma semaphore(%arg7 : memref<!tpu.dma_semaphore, #tpu.memory_space<semaphore_mem>>) src(%dma_wait3A_104 : memref<160000x32xf32, #tpu.memory_space<hbm>>) dst(%dma_wait3A_98 : memref<128x32xf32, #tpu.memory_space<vmem>>)
      %dma_wait3A_105 = arith.constant 3 : i32
      %dma_wait3A_106 = arith.constant 3 : i32
      %dma_wait3A_107 = arith.constant 0 : i32
      %dma_wait3A_108 = arith.constant 0 : i32
      %dma_wait3A_109 = tpu.memref_slice %arg6[%dma_wait3A_106, %dma_wait3A_107, %dma_wait3A_108] : memref<4x128x32xf32, #tpu.memory_space<vmem>> -> memref<1x128x32xf32, #tpu.memory_space<vmem>>
      %dma_wait3A_110 = tpu.memref_squeeze %dma_wait3A_109 : memref<1x128x32xf32, #tpu.memory_space<vmem>> -> memref<128x32xf32, #tpu.memory_space<vmem>>
      %dma_wait3A_111 = arith.constant 0 : i32
      %dma_wait3A_112 = tpu.memref_slice %arg5[%dma_wait3A_105, %dma_wait3A_111] : memref<4x128xi32, #tpu.memory_space<vmem>> -> memref<1x128xi32, #tpu.memory_space<vmem>>
      %dma_wait3A_113 = tpu.memref_squeeze %dma_wait3A_112 : memref<1x128xi32, #tpu.memory_space<vmem>> -> memref<128xi32, #tpu.memory_space<vmem>>
      %dma_wait3A_114 = arith.constant 0 : i32
      %dma_wait3A_115 = arith.constant 0 : i32
      %dma_wait3A_116 = tpu.memref_slice %arg2[%dma_wait3A_114, %dma_wait3A_115] : memref<160000x32xf32, #tpu.memory_space<hbm>> -> memref<160000x32xf32, #tpu.memory_space<hbm>>
      tpu.wait_indirect_dma semaphore(%arg7 : memref<!tpu.dma_semaphore, #tpu.memory_space<semaphore_mem>>) src(%dma_wait3A_116 : memref<160000x32xf32, #tpu.memory_space<hbm>>) dst(%dma_wait3A_110 : memref<128x32xf32, #tpu.memory_space<vmem>>)
      %add3A_117 = arith.constant 0 : i32
      %add3A_118 = arith.addi %add3A_11, %add3A_117 : i32
      %run_scoped3A_119 = arith.constant 0 : i32
      "tpu.region"() ({
        %run_scoped3A_129 = tpu.sem_alloc : memref<!tpu.dma_semaphore, #tpu.memory_space<semaphore_mem>>
        %dma_start3A_130 = arith.constant 0 : i32
        %dma_start3A_131 = arith.constant 0 : i32
        %dma_start3A_132 = tpu.memref_slice %arg6[%run_scoped3A_119, %dma_start3A_130, %dma_start3A_131] : memref<4x128x32xf32, #tpu.memory_space<vmem>> -> memref<1x128x32xf32, #tpu.memory_space<vmem>>
        %dma_start3A_133 = tpu.memref_squeeze %dma_start3A_132 : memref<1x128x32xf32, #tpu.memory_space<vmem>> -> memref<128x32xf32, #tpu.memory_space<vmem>>
        %dma_start3A_134 = arith.constant 0 : i32
        %dma_start3A_135 = tpu.memref_slice %arg4[%add3A_118, %dma_start3A_134] : memref<5242880x32xf32, #tpu.memory_space<hbm>> -> memref<128x32xf32, #tpu.memory_space<hbm>>
        %dma_start3A_136 = arith.constant 0 : i32
        %dma_start3A_137 = tpu.memref_slice %arg4[%add3A_118, %dma_start3A_136] : memref<5242880x32xf32, #tpu.memory_space<hbm>> -> memref<128x32xf32, #tpu.memory_space<hbm>>
        %dma_start3A_138 = arith.constant 0 : i32
        %dma_start3A_139 = arith.constant 0 : i32
        %dma_start3A_140 = tpu.memref_slice %arg6[%run_scoped3A_119, %dma_start3A_138, %dma_start3A_139] : memref<4x128x32xf32, #tpu.memory_space<vmem>> -> memref<1x128x32xf32, #tpu.memory_space<vmem>>
        %dma_start3A_141 = tpu.memref_squeeze %dma_start3A_140 : memref<1x128x32xf32, #tpu.memory_space<vmem>> -> memref<128x32xf32, #tpu.memory_space<vmem>>
        tpu.enqueue_dma source(%dma_start3A_141 : memref<128x32xf32, #tpu.memory_space<vmem>>) target(%dma_start3A_137 : memref<128x32xf32, #tpu.memory_space<hbm>>) target_semaphore(%run_scoped3A_129 : memref<!tpu.dma_semaphore, #tpu.memory_space<semaphore_mem>>)
        %dma_wait3A_142 = arith.constant 0 : i32
        %dma_wait3A_143 = arith.constant 0 : i32
        %dma_wait3A_144 = tpu.memref_slice %arg6[%run_scoped3A_119, %dma_wait3A_142, %dma_wait3A_143] : memref<4x128x32xf32, #tpu.memory_space<vmem>> -> memref<1x128x32xf32, #tpu.memory_space<vmem>>
        %dma_wait3A_145 = tpu.memref_squeeze %dma_wait3A_144 : memref<1x128x32xf32, #tpu.memory_space<vmem>> -> memref<128x32xf32, #tpu.memory_space<vmem>>
        %dma_wait3A_146 = arith.constant 0 : i32
        %dma_wait3A_147 = tpu.memref_slice %arg4[%add3A_118, %dma_wait3A_146] : memref<5242880x32xf32, #tpu.memory_space<hbm>> -> memref<128x32xf32, #tpu.memory_space<hbm>>
        %dma_wait3A_148 = arith.constant 0 : i32
        %dma_wait3A_149 = tpu.memref_slice %arg4[%add3A_118, %dma_wait3A_148] : memref<5242880x32xf32, #tpu.memory_space<hbm>> -> memref<128x32xf32, #tpu.memory_space<hbm>>
        %dma_wait3A_150 = arith.constant 0 : i32
        %dma_wait3A_151 = arith.constant 0 : i32
        %dma_wait3A_152 = tpu.memref_slice %arg6[%run_scoped3A_119, %dma_wait3A_150, %dma_wait3A_151] : memref<4x128x32xf32, #tpu.memory_space<vmem>> -> memref<1x128x32xf32, #tpu.memory_space<vmem>>
        %dma_wait3A_153 = tpu.memref_squeeze %dma_wait3A_152 : memref<1x128x32xf32, #tpu.memory_space<vmem>> -> memref<128x32xf32, #tpu.memory_space<vmem>>
        tpu.wait_dma2 semaphore(%run_scoped3A_129 : memref<!tpu.dma_semaphore, #tpu.memory_space<semaphore_mem>>) src(%dma_wait3A_153 : memref<128x32xf32, #tpu.memory_space<vmem>>) dst(%dma_wait3A_149 : memref<128x32xf32, #tpu.memory_space<hbm>>)
        tpu.yield
      }) : () -> ()
      %add3A_120 = arith.constant 128 : i32
      %add3A_121 = arith.addi %add3A_11, %add3A_120 : i32
      %run_scoped3A_122 = arith.constant 1 : i32
      "tpu.region"() ({
        %run_scoped3A_129 = tpu.sem_alloc : memref<!tpu.dma_semaphore, #tpu.memory_space<semaphore_mem>>
        %dma_start3A_130 = arith.constant 0 : i32
        %dma_start3A_131 = arith.constant 0 : i32
        %dma_start3A_132 = tpu.memref_slice %arg6[%run_scoped3A_122, %dma_start3A_130, %dma_start3A_131] : memref<4x128x32xf32, #tpu.memory_space<vmem>> -> memref<1x128x32xf32, #tpu.memory_space<vmem>>
        %dma_start3A_133 = tpu.memref_squeeze %dma_start3A_132 : memref<1x128x32xf32, #tpu.memory_space<vmem>> -> memref<128x32xf32, #tpu.memory_space<vmem>>
        %dma_start3A_134 = arith.constant 0 : i32
        %dma_start3A_135 = tpu.memref_slice %arg4[%add3A_121, %dma_start3A_134] : memref<5242880x32xf32, #tpu.memory_space<hbm>> -> memref<128x32xf32, #tpu.memory_space<hbm>>
        %dma_start3A_136 = arith.constant 0 : i32
        %dma_start3A_137 = tpu.memref_slice %arg4[%add3A_121, %dma_start3A_136] : memref<5242880x32xf32, #tpu.memory_space<hbm>> -> memref<128x32xf32, #tpu.memory_space<hbm>>
        %dma_start3A_138 = arith.constant 0 : i32
        %dma_start3A_139 = arith.constant 0 : i32
        %dma_start3A_140 = tpu.memref_slice %arg6[%run_scoped3A_122, %dma_start3A_138, %dma_start3A_139] : memref<4x128x32xf32, #tpu.memory_space<vmem>> -> memref<1x128x32xf32, #tpu.memory_space<vmem>>
        %dma_start3A_141 = tpu.memref_squeeze %dma_start3A_140 : memref<1x128x32xf32, #tpu.memory_space<vmem>> -> memref<128x32xf32, #tpu.memory_space<vmem>>
        tpu.enqueue_dma source(%dma_start3A_141 : memref<128x32xf32, #tpu.memory_space<vmem>>) target(%dma_start3A_137 : memref<128x32xf32, #tpu.memory_space<hbm>>) target_semaphore(%run_scoped3A_129 : memref<!tpu.dma_semaphore, #tpu.memory_space<semaphore_mem>>)
        %dma_wait3A_142 = arith.constant 0 : i32
        %dma_wait3A_143 = arith.constant 0 : i32
        %dma_wait3A_144 = tpu.memref_slice %arg6[%run_scoped3A_122, %dma_wait3A_142, %dma_wait3A_143] : memref<4x128x32xf32, #tpu.memory_space<vmem>> -> memref<1x128x32xf32, #tpu.memory_space<vmem>>
        %dma_wait3A_145 = tpu.memref_squeeze %dma_wait3A_144 : memref<1x128x32xf32, #tpu.memory_space<vmem>> -> memref<128x32xf32, #tpu.memory_space<vmem>>
        %dma_wait3A_146 = arith.constant 0 : i32
        %dma_wait3A_147 = tpu.memref_slice %arg4[%add3A_121, %dma_wait3A_146] : memref<5242880x32xf32, #tpu.memory_space<hbm>> -> memref<128x32xf32, #tpu.memory_space<hbm>>
        %dma_wait3A_148 = arith.constant 0 : i32
        %dma_wait3A_149 = tpu.memref_slice %arg4[%add3A_121, %dma_wait3A_148] : memref<5242880x32xf32, #tpu.memory_space<hbm>> -> memref<128x32xf32, #tpu.memory_space<hbm>>
        %dma_wait3A_150 = arith.constant 0 : i32
        %dma_wait3A_151 = arith.constant 0 : i32
        %dma_wait3A_152 = tpu.memref_slice %arg6[%run_scoped3A_122, %dma_wait3A_150, %dma_wait3A_151] : memref<4x128x32xf32, #tpu.memory_space<vmem>> -> memref<1x128x32xf32, #tpu.memory_space<vmem>>
        %dma_wait3A_153 = tpu.memref_squeeze %dma_wait3A_152 : memref<1x128x32xf32, #tpu.memory_space<vmem>> -> memref<128x32xf32, #tpu.memory_space<vmem>>
        tpu.wait_dma2 semaphore(%run_scoped3A_129 : memref<!tpu.dma_semaphore, #tpu.memory_space<semaphore_mem>>) src(%dma_wait3A_153 : memref<128x32xf32, #tpu.memory_space<vmem>>) dst(%dma_wait3A_149 : memref<128x32xf32, #tpu.memory_space<hbm>>)
        tpu.yield
      }) : () -> ()
      %add3A_123 = arith.constant 256 : i32
      %add3A_124 = arith.addi %add3A_11, %add3A_123 : i32
      %run_scoped3A_125 = arith.constant 2 : i32
      "tpu.region"() ({
        %run_scoped3A_129 = tpu.sem_alloc : memref<!tpu.dma_semaphore, #tpu.memory_space<semaphore_mem>>
        %dma_start3A_130 = arith.constant 0 : i32
        %dma_start3A_131 = arith.constant 0 : i32
        %dma_start3A_132 = tpu.memref_slice %arg6[%run_scoped3A_125, %dma_start3A_130, %dma_start3A_131] : memref<4x128x32xf32, #tpu.memory_space<vmem>> -> memref<1x128x32xf32, #tpu.memory_space<vmem>>
        %dma_start3A_133 = tpu.memref_squeeze %dma_start3A_132 : memref<1x128x32xf32, #tpu.memory_space<vmem>> -> memref<128x32xf32, #tpu.memory_space<vmem>>
        %dma_start3A_134 = arith.constant 0 : i32
        %dma_start3A_135 = tpu.memref_slice %arg4[%add3A_124, %dma_start3A_134] : memref<5242880x32xf32, #tpu.memory_space<hbm>> -> memref<128x32xf32, #tpu.memory_space<hbm>>
        %dma_start3A_136 = arith.constant 0 : i32
        %dma_start3A_137 = tpu.memref_slice %arg4[%add3A_124, %dma_start3A_136] : memref<5242880x32xf32, #tpu.memory_space<hbm>> -> memref<128x32xf32, #tpu.memory_space<hbm>>
        %dma_start3A_138 = arith.constant 0 : i32
        %dma_start3A_139 = arith.constant 0 : i32
        %dma_start3A_140 = tpu.memref_slice %arg6[%run_scoped3A_125, %dma_start3A_138, %dma_start3A_139] : memref<4x128x32xf32, #tpu.memory_space<vmem>> -> memref<1x128x32xf32, #tpu.memory_space<vmem>>
        %dma_start3A_141 = tpu.memref_squeeze %dma_start3A_140 : memref<1x128x32xf32, #tpu.memory_space<vmem>> -> memref<128x32xf32, #tpu.memory_space<vmem>>
        tpu.enqueue_dma source(%dma_start3A_141 : memref<128x32xf32, #tpu.memory_space<vmem>>) target(%dma_start3A_137 : memref<128x32xf32, #tpu.memory_space<hbm>>) target_semaphore(%run_scoped3A_129 : memref<!tpu.dma_semaphore, #tpu.memory_space<semaphore_mem>>)
        %dma_wait3A_142 = arith.constant 0 : i32
        %dma_wait3A_143 = arith.constant 0 : i32
        %dma_wait3A_144 = tpu.memref_slice %arg6[%run_scoped3A_125, %dma_wait3A_142, %dma_wait3A_143] : memref<4x128x32xf32, #tpu.memory_space<vmem>> -> memref<1x128x32xf32, #tpu.memory_space<vmem>>
        %dma_wait3A_145 = tpu.memref_squeeze %dma_wait3A_144 : memref<1x128x32xf32, #tpu.memory_space<vmem>> -> memref<128x32xf32, #tpu.memory_space<vmem>>
        %dma_wait3A_146 = arith.constant 0 : i32
        %dma_wait3A_147 = tpu.memref_slice %arg4[%add3A_124, %dma_wait3A_146] : memref<5242880x32xf32, #tpu.memory_space<hbm>> -> memref<128x32xf32, #tpu.memory_space<hbm>>
        %dma_wait3A_148 = arith.constant 0 : i32
        %dma_wait3A_149 = tpu.memref_slice %arg4[%add3A_124, %dma_wait3A_148] : memref<5242880x32xf32, #tpu.memory_space<hbm>> -> memref<128x32xf32, #tpu.memory_space<hbm>>
        %dma_wait3A_150 = arith.constant 0 : i32
        %dma_wait3A_151 = arith.constant 0 : i32
        %dma_wait3A_152 = tpu.memref_slice %arg6[%run_scoped3A_125, %dma_wait3A_150, %dma_wait3A_151] : memref<4x128x32xf32, #tpu.memory_space<vmem>> -> memref<1x128x32xf32, #tpu.memory_space<vmem>>
        %dma_wait3A_153 = tpu.memref_squeeze %dma_wait3A_152 : memref<1x128x32xf32, #tpu.memory_space<vmem>> -> memref<128x32xf32, #tpu.memory_space<vmem>>
        tpu.wait_dma2 semaphore(%run_scoped3A_129 : memref<!tpu.dma_semaphore, #tpu.memory_space<semaphore_mem>>) src(%dma_wait3A_153 : memref<128x32xf32, #tpu.memory_space<vmem>>) dst(%dma_wait3A_149 : memref<128x32xf32, #tpu.memory_space<hbm>>)
        tpu.yield
      }) : () -> ()
      %add3A_126 = arith.constant 384 : i32
      %add3A_127 = arith.addi %add3A_11, %add3A_126 : i32
      %run_scoped3A_128 = arith.constant 3 : i32
      "tpu.region"() ({
        %run_scoped3A_129 = tpu.sem_alloc : memref<!tpu.dma_semaphore, #tpu.memory_space<semaphore_mem>>
        %dma_start3A_130 = arith.constant 0 : i32
        %dma_start3A_131 = arith.constant 0 : i32
        %dma_start3A_132 = tpu.memref_slice %arg6[%run_scoped3A_128, %dma_start3A_130, %dma_start3A_131] : memref<4x128x32xf32, #tpu.memory_space<vmem>> -> memref<1x128x32xf32, #tpu.memory_space<vmem>>
        %dma_start3A_133 = tpu.memref_squeeze %dma_start3A_132 : memref<1x128x32xf32, #tpu.memory_space<vmem>> -> memref<128x32xf32, #tpu.memory_space<vmem>>
        %dma_start3A_134 = arith.constant 0 : i32
        %dma_start3A_135 = tpu.memref_slice %arg4[%add3A_127, %dma_start3A_134] : memref<5242880x32xf32, #tpu.memory_space<hbm>> -> memref<128x32xf32, #tpu.memory_space<hbm>>
        %dma_start3A_136 = arith.constant 0 : i32
        %dma_start3A_137 = tpu.memref_slice %arg4[%add3A_127, %dma_start3A_136] : memref<5242880x32xf32, #tpu.memory_space<hbm>> -> memref<128x32xf32, #tpu.memory_space<hbm>>
        %dma_start3A_138 = arith.constant 0 : i32
        %dma_start3A_139 = arith.constant 0 : i32
        %dma_start3A_140 = tpu.memref_slice %arg6[%run_scoped3A_128, %dma_start3A_138, %dma_start3A_139] : memref<4x128x32xf32, #tpu.memory_space<vmem>> -> memref<1x128x32xf32, #tpu.memory_space<vmem>>
        %dma_start3A_141 = tpu.memref_squeeze %dma_start3A_140 : memref<1x128x32xf32, #tpu.memory_space<vmem>> -> memref<128x32xf32, #tpu.memory_space<vmem>>
        tpu.enqueue_dma source(%dma_start3A_141 : memref<128x32xf32, #tpu.memory_space<vmem>>) target(%dma_start3A_137 : memref<128x32xf32, #tpu.memory_space<hbm>>) target_semaphore(%run_scoped3A_129 : memref<!tpu.dma_semaphore, #tpu.memory_space<semaphore_mem>>)
        %dma_wait3A_142 = arith.constant 0 : i32
        %dma_wait3A_143 = arith.constant 0 : i32
        %dma_wait3A_144 = tpu.memref_slice %arg6[%run_scoped3A_128, %dma_wait3A_142, %dma_wait3A_143] : memref<4x128x32xf32, #tpu.memory_space<vmem>> -> memref<1x128x32xf32, #tpu.memory_space<vmem>>
        %dma_wait3A_145 = tpu.memref_squeeze %dma_wait3A_144 : memref<1x128x32xf32, #tpu.memory_space<vmem>> -> memref<128x32xf32, #tpu.memory_space<vmem>>
        %dma_wait3A_146 = arith.constant 0 : i32
        %dma_wait3A_147 = tpu.memref_slice %arg4[%add3A_127, %dma_wait3A_146] : memref<5242880x32xf32, #tpu.memory_space<hbm>> -> memref<128x32xf32, #tpu.memory_space<hbm>>
        %dma_wait3A_148 = arith.constant 0 : i32
        %dma_wait3A_149 = tpu.memref_slice %arg4[%add3A_127, %dma_wait3A_148] : memref<5242880x32xf32, #tpu.memory_space<hbm>> -> memref<128x32xf32, #tpu.memory_space<hbm>>
        %dma_wait3A_150 = arith.constant 0 : i32
        %dma_wait3A_151 = arith.constant 0 : i32
        %dma_wait3A_152 = tpu.memref_slice %arg6[%run_scoped3A_128, %dma_wait3A_150, %dma_wait3A_151] : memref<4x128x32xf32, #tpu.memory_space<vmem>> -> memref<1x128x32xf32, #tpu.memory_space<vmem>>
        %dma_wait3A_153 = tpu.memref_squeeze %dma_wait3A_152 : memref<1x128x32xf32, #tpu.memory_space<vmem>> -> memref<128x32xf32, #tpu.memory_space<vmem>>
        tpu.wait_dma2 semaphore(%run_scoped3A_129 : memref<!tpu.dma_semaphore, #tpu.memory_space<semaphore_mem>>) src(%dma_wait3A_153 : memref<128x32xf32, #tpu.memory_space<vmem>>) dst(%dma_wait3A_149 : memref<128x32xf32, #tpu.memory_space<hbm>>)
        tpu.yield
      }) : () -> ()
    }
    %scan3A_7 = arith.constant 320 : i32
    return
  }
}

module attributes {stable_mosaic.version = 14 : i64} {
  func.func @_addr_body(%arg0: i32, %arg1: i32, %arg2: memref<256x512xf32, #tpu.memory_space<vmem>>, %arg3: memref<1x4x512xf32, #tpu.memory_space<vmem>>, %arg4: memref<1x4x512xf32, #tpu.memory_space<vmem>>, %arg5: memref<64x256xf32, #tpu.memory_space<vmem>>, %arg6: memref<64x1xf32, #tpu.memory_space<vmem>>, %arg7: memref<64x256xf32, #tpu.memory_space<vmem>>, %arg8: memref<64x1xf32, #tpu.memory_space<vmem>>, %arg9: memref<64x256xf32, #tpu.memory_space<vmem>>, %arg10: memref<64x1xf32, #tpu.memory_space<vmem>>, %arg11: memref<1x256x512xf32, #tpu.memory_space<vmem>>, %arg12: memref<1x256x512xi32, #tpu.memory_space<vmem>>) attributes {dimension_semantics = [#tpu.dimension_semantics<arbitrary>, #tpu.dimension_semantics<arbitrary>], iteration_bounds = array<i64: 2, 20>, scalar_prefetch = 0 : i64, scratch_operands = 0 : i64, tpu.core_type = #tpu.core_type<tc>, window_params = [{transform_indices = @transform_0, window_bounds = array<i64: 256, 512>}, {transform_indices = @transform_1, window_bounds = array<i64: 1, 4, 512>}, {transform_indices = @transform_2, window_bounds = array<i64: 1, 4, 512>}, {pipeline_mode = #tpu.pipeline_mode<synchronous>, transform_indices = @transform_3, window_bounds = array<i64: 64, 256>}, {pipeline_mode = #tpu.pipeline_mode<synchronous>, transform_indices = @transform_4, window_bounds = array<i64: 64, 1>}, {pipeline_mode = #tpu.pipeline_mode<synchronous>, transform_indices = @transform_5, window_bounds = array<i64: 64, 256>}, {pipeline_mode = #tpu.pipeline_mode<synchronous>, transform_indices = @transform_6, window_bounds = array<i64: 64, 1>}, {pipeline_mode = #tpu.pipeline_mode<synchronous>, transform_indices = @transform_7, window_bounds = array<i64: 64, 256>}, {pipeline_mode = #tpu.pipeline_mode<synchronous>, transform_indices = @transform_8, window_bounds = array<i64: 64, 1>}, {transform_indices = @transform_9, window_bounds = array<i64: 1, 256, 512>}, {transform_indices = @transform_10, window_bounds = array<i64: 1, 256, 512>}]} {
    %get3A = arith.constant 0 : index
    %get3A_0 = arith.constant 0 : index
    %get3A_1 = vector.load %arg2[%get3A, %get3A_0] : memref<256x512xf32, #tpu.memory_space<vmem>>, vector<256x512xf32>
    %get3A_2 = arith.constant 0 : index
    %get3A_3 = arith.constant 0 : index
    %get3A_4 = vector.load %arg5[%get3A_2, %get3A_3] : memref<64x256xf32, #tpu.memory_space<vmem>>, vector<64x256xf32>
    %dot_general3A = arith.constant dense<0.000000e+00> : vector<64x512xf32>
    %dot_general3A_5 = tpu.matmul %get3A_4, %get3A_1, %dot_general3A {dimension_numbers = #tpu.dot_dimension_numbers<[1], [0], [0], [1], [0, 0, 1, 1], [], []>, transpose_lhs_hint = false} : vector<64x256xf32>, vector<256x512xf32>, vector<64x512xf32> -> vector<64x512xf32>
    %get3A_6 = arith.constant 0 : index
    %get3A_7 = arith.constant 0 : index
    %get3A_8 = vector.load %arg6[%get3A_6, %get3A_7] : memref<64x1xf32, #tpu.memory_space<vmem>>, vector<64x1xf32>
    %add3A = vector.broadcast %get3A_8 : vector<64x1xf32> to vector<64x512xf32>
    %add3A_9 = arith.addf %dot_general3A_5, %add3A : vector<64x512xf32>
    %get3A_10 = arith.constant 0 : index
    %get3A_11 = arith.constant 0 : index
    %get3A_12 = vector.load %arg7[%get3A_10, %get3A_11] : memref<64x256xf32, #tpu.memory_space<vmem>>, vector<64x256xf32>
    %dot_general3A_13 = arith.constant dense<0.000000e+00> : vector<64x512xf32>
    %dot_general3A_14 = tpu.matmul %get3A_12, %get3A_1, %dot_general3A_13 {dimension_numbers = #tpu.dot_dimension_numbers<[1], [0], [0], [1], [0, 0, 1, 1], [], []>, transpose_lhs_hint = false} : vector<64x256xf32>, vector<256x512xf32>, vector<64x512xf32> -> vector<64x512xf32>
    %get3A_15 = arith.constant 0 : index
    %get3A_16 = arith.constant 0 : index
    %get3A_17 = vector.load %arg8[%get3A_15, %get3A_16] : memref<64x1xf32, #tpu.memory_space<vmem>>, vector<64x1xf32>
    %add3A_18 = vector.broadcast %get3A_17 : vector<64x1xf32> to vector<64x512xf32>
    %add3A_19 = arith.addf %dot_general3A_14, %add3A_18 : vector<64x512xf32>
    %get3A_20 = arith.constant 0 : index
    %get3A_21 = arith.constant 0 : index
    %get3A_22 = vector.load %arg9[%get3A_20, %get3A_21] : memref<64x256xf32, #tpu.memory_space<vmem>>, vector<64x256xf32>
    %dot_general3A_23 = arith.constant dense<0.000000e+00> : vector<64x512xf32>
    %dot_general3A_24 = tpu.matmul %get3A_22, %get3A_1, %dot_general3A_23 {dimension_numbers = #tpu.dot_dimension_numbers<[1], [0], [0], [1], [0, 0, 1, 1], [], []>, transpose_lhs_hint = false} : vector<64x256xf32>, vector<256x512xf32>, vector<64x512xf32> -> vector<64x512xf32>
    %get3A_25 = arith.constant 0 : index
    %get3A_26 = arith.constant 0 : index
    %get3A_27 = vector.load %arg10[%get3A_25, %get3A_26] : memref<64x1xf32, #tpu.memory_space<vmem>>, vector<64x1xf32>
    %add3A_28 = vector.broadcast %get3A_27 : vector<64x1xf32> to vector<64x512xf32>
    %add3A_29 = arith.addf %dot_general3A_24, %add3A_28 : vector<64x512xf32>
    %reshape3A = vector.shape_cast %add3A_29 : vector<64x512xf32> to vector<8x8x512xf32>
    %reduce_max3A = arith.constant dense<0xFF800000> : vector<8x512xf32>
    %reduce_max3A_30 = vector.multi_reduction <maximumf>, %reshape3A, %reduce_max3A [1] : vector<8x8x512xf32> to vector<8x512xf32>
    %broadcast_in_dim3A = vector.shape_cast %reduce_max3A_30 : vector<8x512xf32> to vector<8x1x512xf32>
    %sub3A = vector.broadcast %broadcast_in_dim3A : vector<8x1x512xf32> to vector<8x8x512xf32>
    %sub3A_31 = arith.subf %reshape3A, %sub3A : vector<8x8x512xf32>
    %exp3A = math.exp %sub3A_31 : vector<8x8x512xf32>
    %reduce_sum3A = arith.constant dense<0.000000e+00> : vector<8x512xf32>
    %reduce_sum3A_32 = vector.multi_reduction <add>, %exp3A, %reduce_sum3A [1] : vector<8x8x512xf32> to vector<8x512xf32>
    %broadcast_in_dim3A_33 = vector.shape_cast %reduce_sum3A_32 : vector<8x512xf32> to vector<8x1x512xf32>
    %div3A = vector.broadcast %broadcast_in_dim3A_33 : vector<8x1x512xf32> to vector<8x8x512xf32>
    %div3A_34 = arith.divf %exp3A, %div3A : vector<8x8x512xf32>
    %reshape3A_35 = vector.shape_cast %div3A_34 : vector<8x8x512xf32> to vector<64x512xf32>
    %get3A_36 = arith.constant 0 : index
    %get3A_37 = arith.constant 0 : index
    %get3A_38 = arith.constant 0 : index
    %get3A_39 = vector.load %arg3[%get3A_36, %get3A_37, %get3A_38] : memref<1x4x512xf32, #tpu.memory_space<vmem>>, vector<1x4x512xf32>
    %get3A_40 = vector.shape_cast %get3A_39 : vector<1x4x512xf32> to vector<4x512xf32>
    %broadcast_in_dim3A_41 = vector.shape_cast %get3A_40 : vector<4x512xf32> to vector<1x4x512xf32>
    %broadcast_in_dim3A_42 = vector.shape_cast %broadcast_in_dim3A_41 : vector<1x4x512xf32> to vector<1x4x512xf32>
    %broadcast_in_dim3A_43 = vector.broadcast %broadcast_in_dim3A_42 : vector<1x4x512xf32> to vector<16x4x512xf32>
    %get3A_44 = arith.constant 0 : index
    %get3A_45 = arith.constant 0 : index
    %get3A_46 = arith.constant 0 : index
    %get3A_47 = vector.load %arg4[%get3A_44, %get3A_45, %get3A_46] : memref<1x4x512xf32, #tpu.memory_space<vmem>>, vector<1x4x512xf32>
    %get3A_48 = vector.shape_cast %get3A_47 : vector<1x4x512xf32> to vector<4x512xf32>
    %broadcast_in_dim3A_49 = vector.shape_cast %get3A_48 : vector<4x512xf32> to vector<1x4x512xf32>
    %broadcast_in_dim3A_50 = vector.shape_cast %broadcast_in_dim3A_49 : vector<1x4x512xf32> to vector<1x4x512xf32>
    %broadcast_in_dim3A_51 = vector.broadcast %broadcast_in_dim3A_50 : vector<1x4x512xf32> to vector<16x4x512xf32>
    %reshape3A_52 = vector.shape_cast %broadcast_in_dim3A_43 : vector<16x4x512xf32> to vector<64x512xf32>
    %add3A_53 = arith.addf %reshape3A_52, %add3A_9 : vector<64x512xf32>
    %mul3A = arith.constant 1.000000e+02 : f32
    %mul3A_54 = vector.broadcast %mul3A : f32 to vector<64x512xf32>
    %mul3A_55 = arith.mulf %add3A_53, %mul3A_54 : vector<64x512xf32>
    %sub3A_56 = arith.constant 5.000000e-01 : f32
    %sub3A_57 = vector.broadcast %sub3A_56 : f32 to vector<64x512xf32>
    %sub3A_58 = arith.subf %mul3A_55, %sub3A_57 : vector<64x512xf32>
    %reshape3A_59 = vector.shape_cast %broadcast_in_dim3A_51 : vector<16x4x512xf32> to vector<64x512xf32>
    %add3A_60 = arith.addf %reshape3A_59, %add3A_19 : vector<64x512xf32>
    %mul3A_61 = arith.constant 1.000000e+02 : f32
    %mul3A_62 = vector.broadcast %mul3A_61 : f32 to vector<64x512xf32>
    %mul3A_63 = arith.mulf %add3A_60, %mul3A_62 : vector<64x512xf32>
    %sub3A_64 = arith.constant 5.000000e-01 : f32
    %sub3A_65 = vector.broadcast %sub3A_64 : f32 to vector<64x512xf32>
    %sub3A_66 = arith.subf %mul3A_63, %sub3A_65 : vector<64x512xf32>
    %floor3A = math.floor %sub3A_58 : vector<64x512xf32>
    %floor3A_67 = math.floor %sub3A_66 : vector<64x512xf32>
    %iota3A = tpu.iota {dimensions = array<i32: 0>} : vector<64x512xi32>
    %jit3A = arith.constant 8 : i32
    %div3A_68 = vector.broadcast %jit3A : i32 to vector<64x512xi32>
    %div3A_69 = arith.divsi %iota3A, %div3A_68 : vector<64x512xi32>
    %sign3A = arith.constant 0 : i32
    %sign3A_70 = vector.broadcast %sign3A : i32 to vector<64x512xi32>
    %sign3A_71 = arith.cmpi sgt, %iota3A, %sign3A_70 : vector<64x512xi32>
    %sign3A_72 = arith.extui %sign3A_71 : vector<64x512xi1> to vector<64x512xi32>
    %sign3A_73 = arith.constant 0 : i32
    %sign3A_74 = vector.broadcast %sign3A_73 : i32 to vector<64x512xi32>
    %sign3A_75 = arith.cmpi slt, %iota3A, %sign3A_74 : vector<64x512xi32>
    %sign3A_76 = arith.extui %sign3A_75 : vector<64x512xi1> to vector<64x512xi32>
    %sign3A_77 = arith.subi %sign3A_72, %sign3A_76 : vector<64x512xi32>
    %sign3A_78 = arith.constant 0 : i32
    %sign3A_79 = arith.cmpi sgt, %jit3A, %sign3A_78 : i32
    %sign3A_80 = arith.extui %sign3A_79 : i1 to i32
    %sign3A_81 = arith.constant 0 : i32
    %sign3A_82 = arith.cmpi slt, %jit3A, %sign3A_81 : i32
    %sign3A_83 = arith.extui %sign3A_82 : i1 to i32
    %sign3A_84 = arith.subi %sign3A_80, %sign3A_83 : i32
    %ne3A = vector.broadcast %sign3A_84 : i32 to vector<64x512xi32>
    %ne3A_85 = arith.cmpi ne, %sign3A_77, %ne3A : vector<64x512xi32>
    %rem3A = vector.broadcast %jit3A : i32 to vector<64x512xi32>
    %rem3A_86 = arith.remsi %iota3A, %rem3A : vector<64x512xi32>
    %ne3A_87 = arith.constant 0 : i32
    %ne3A_88 = vector.broadcast %ne3A_87 : i32 to vector<64x512xi32>
    %ne3A_89 = arith.cmpi ne, %rem3A_86, %ne3A_88 : vector<64x512xi32>
    %and3A = arith.andi %ne3A_85, %ne3A_89 : vector<64x512xi1>
    %sub3A_90 = arith.constant 1 : i32
    %sub3A_91 = vector.broadcast %sub3A_90 : i32 to vector<64x512xi32>
    %sub3A_92 = arith.subi %div3A_69, %sub3A_91 : vector<64x512xi32>
    %select_n3A = arith.select %and3A, %sub3A_92, %div3A_69 : vector<64x512xi1>, vector<64x512xi32>
    %mul3A_93 = arith.constant 8 : i32
    %mul3A_94 = arith.muli %arg0, %mul3A_93 : i32
    %add3A_95 = vector.broadcast %mul3A_94 : i32 to vector<64x512xi32>
    %add3A_96 = arith.addi %add3A_95, %select_n3A : vector<64x512xi32>
    %mul3A_97 = arith.constant 10000 : i32
    %mul3A_98 = vector.broadcast %mul3A_97 : i32 to vector<64x512xi32>
    %mul3A_99 = arith.muli %add3A_96, %mul3A_98 : vector<64x512xi32>
    %add3A_100 = arith.constant 0.000000e+00 : f32
    %add3A_101 = vector.broadcast %add3A_100 : f32 to vector<64x512xf32>
    %add3A_102 = arith.addf %floor3A, %add3A_101 : vector<64x512xf32>
    %add3A_103 = arith.constant 0.000000e+00 : f32
    %add3A_104 = vector.broadcast %add3A_103 : f32 to vector<64x512xf32>
    %add3A_105 = arith.addf %floor3A_67, %add3A_104 : vector<64x512xf32>
    %sub3A_106 = arith.subf %sub3A_58, %add3A_102 : vector<64x512xf32>
    %abs3A = math.absf %sub3A_106 : vector<64x512xf32>
    %sub3A_107 = arith.constant 1.000000e+00 : f32
    %sub3A_108 = vector.broadcast %sub3A_107 : f32 to vector<64x512xf32>
    %sub3A_109 = arith.subf %sub3A_108, %abs3A : vector<64x512xf32>
    %sub3A_110 = arith.subf %sub3A_66, %add3A_105 : vector<64x512xf32>
    %abs3A_111 = math.absf %sub3A_110 : vector<64x512xf32>
    %sub3A_112 = arith.constant 1.000000e+00 : f32
    %sub3A_113 = vector.broadcast %sub3A_112 : f32 to vector<64x512xf32>
    %sub3A_114 = arith.subf %sub3A_113, %abs3A_111 : vector<64x512xf32>
    %mul3A_115 = arith.mulf %sub3A_109, %sub3A_114 : vector<64x512xf32>
    %ge3A = arith.constant 0.000000e+00 : f32
    %ge3A_116 = vector.broadcast %ge3A : f32 to vector<64x512xf32>
    %ge3A_117 = arith.cmpf oge, %add3A_102, %ge3A_116 : vector<64x512xf32>
    %lt3A = arith.constant 1.000000e+02 : f32
    %lt3A_118 = vector.broadcast %lt3A : f32 to vector<64x512xf32>
    %lt3A_119 = arith.cmpf olt, %add3A_102, %lt3A_118 : vector<64x512xf32>
    %and3A_120 = arith.andi %ge3A_117, %lt3A_119 : vector<64x512xi1>
    %ge3A_121 = arith.constant 0.000000e+00 : f32
    %ge3A_122 = vector.broadcast %ge3A_121 : f32 to vector<64x512xf32>
    %ge3A_123 = arith.cmpf oge, %add3A_105, %ge3A_122 : vector<64x512xf32>
    %and3A_124 = arith.andi %and3A_120, %ge3A_123 : vector<64x512xi1>
    %lt3A_125 = arith.constant 1.000000e+02 : f32
    %lt3A_126 = vector.broadcast %lt3A_125 : f32 to vector<64x512xf32>
    %lt3A_127 = arith.cmpf olt, %add3A_105, %lt3A_126 : vector<64x512xf32>
    %and3A_128 = arith.andi %and3A_124, %lt3A_127 : vector<64x512xi1>
    %convert_element_type3A = arith.extui %and3A_128 : vector<64x512xi1> to vector<64x512xi32>
    %convert_element_type3A_129 = arith.sitofp %convert_element_type3A : vector<64x512xi32> to vector<64x512xf32>
    %mul3A_130 = arith.mulf %mul3A_115, %convert_element_type3A_129 : vector<64x512xf32>
    %mul3A_131 = arith.mulf %mul3A_130, %reshape3A_35 : vector<64x512xf32>
    %jit3A_132 = arith.constant 0.000000e+00 : f32
    %jit3A_133 = arith.constant 9.900000e+01 : f32
    %max3A = vector.broadcast %jit3A_132 : f32 to vector<64x512xf32>
    %max3A_134 = arith.maximumf %max3A, %add3A_102 : vector<64x512xf32>
    %min3A = vector.broadcast %jit3A_133 : f32 to vector<64x512xf32>
    %min3A_135 = arith.minimumf %min3A, %max3A_134 : vector<64x512xf32>
    %convert_element_type3A_136 = arith.fptosi %min3A_135 : vector<64x512xf32> to vector<64x512xi32>
    %jit3A_137 = arith.constant 0.000000e+00 : f32
    %jit3A_138 = arith.constant 9.900000e+01 : f32
    %max3A_139 = vector.broadcast %jit3A_137 : f32 to vector<64x512xf32>
    %max3A_140 = arith.maximumf %max3A_139, %add3A_105 : vector<64x512xf32>
    %min3A_141 = vector.broadcast %jit3A_138 : f32 to vector<64x512xf32>
    %min3A_142 = arith.minimumf %min3A_141, %max3A_140 : vector<64x512xf32>
    %convert_element_type3A_143 = arith.fptosi %min3A_142 : vector<64x512xf32> to vector<64x512xi32>
    %mul3A_144 = arith.constant 100 : i32
    %mul3A_145 = vector.broadcast %mul3A_144 : i32 to vector<64x512xi32>
    %mul3A_146 = arith.muli %convert_element_type3A_143, %mul3A_145 : vector<64x512xi32>
    %add3A_147 = arith.addi %mul3A_99, %mul3A_146 : vector<64x512xi32>
    %add3A_148 = arith.addi %add3A_147, %convert_element_type3A_136 : vector<64x512xi32>
    %add3A_149 = arith.constant 1.000000e+00 : f32
    %add3A_150 = vector.broadcast %add3A_149 : f32 to vector<64x512xf32>
    %add3A_151 = arith.addf %floor3A, %add3A_150 : vector<64x512xf32>
    %add3A_152 = arith.constant 0.000000e+00 : f32
    %add3A_153 = vector.broadcast %add3A_152 : f32 to vector<64x512xf32>
    %add3A_154 = arith.addf %floor3A_67, %add3A_153 : vector<64x512xf32>
    %sub3A_155 = arith.subf %sub3A_58, %add3A_151 : vector<64x512xf32>
    %abs3A_156 = math.absf %sub3A_155 : vector<64x512xf32>
    %sub3A_157 = arith.constant 1.000000e+00 : f32
    %sub3A_158 = vector.broadcast %sub3A_157 : f32 to vector<64x512xf32>
    %sub3A_159 = arith.subf %sub3A_158, %abs3A_156 : vector<64x512xf32>
    %sub3A_160 = arith.subf %sub3A_66, %add3A_154 : vector<64x512xf32>
    %abs3A_161 = math.absf %sub3A_160 : vector<64x512xf32>
    %sub3A_162 = arith.constant 1.000000e+00 : f32
    %sub3A_163 = vector.broadcast %sub3A_162 : f32 to vector<64x512xf32>
    %sub3A_164 = arith.subf %sub3A_163, %abs3A_161 : vector<64x512xf32>
    %mul3A_165 = arith.mulf %sub3A_159, %sub3A_164 : vector<64x512xf32>
    %ge3A_166 = arith.constant 0.000000e+00 : f32
    %ge3A_167 = vector.broadcast %ge3A_166 : f32 to vector<64x512xf32>
    %ge3A_168 = arith.cmpf oge, %add3A_151, %ge3A_167 : vector<64x512xf32>
    %lt3A_169 = arith.constant 1.000000e+02 : f32
    %lt3A_170 = vector.broadcast %lt3A_169 : f32 to vector<64x512xf32>
    %lt3A_171 = arith.cmpf olt, %add3A_151, %lt3A_170 : vector<64x512xf32>
    %and3A_172 = arith.andi %ge3A_168, %lt3A_171 : vector<64x512xi1>
    %ge3A_173 = arith.constant 0.000000e+00 : f32
    %ge3A_174 = vector.broadcast %ge3A_173 : f32 to vector<64x512xf32>
    %ge3A_175 = arith.cmpf oge, %add3A_154, %ge3A_174 : vector<64x512xf32>
    %and3A_176 = arith.andi %and3A_172, %ge3A_175 : vector<64x512xi1>
    %lt3A_177 = arith.constant 1.000000e+02 : f32
    %lt3A_178 = vector.broadcast %lt3A_177 : f32 to vector<64x512xf32>
    %lt3A_179 = arith.cmpf olt, %add3A_154, %lt3A_178 : vector<64x512xf32>
    %and3A_180 = arith.andi %and3A_176, %lt3A_179 : vector<64x512xi1>
    %convert_element_type3A_181 = arith.extui %and3A_180 : vector<64x512xi1> to vector<64x512xi32>
    %convert_element_type3A_182 = arith.sitofp %convert_element_type3A_181 : vector<64x512xi32> to vector<64x512xf32>
    %mul3A_183 = arith.mulf %mul3A_165, %convert_element_type3A_182 : vector<64x512xf32>
    %mul3A_184 = arith.mulf %mul3A_183, %reshape3A_35 : vector<64x512xf32>
    %jit3A_185 = arith.constant 0.000000e+00 : f32
    %jit3A_186 = arith.constant 9.900000e+01 : f32
    %max3A_187 = vector.broadcast %jit3A_185 : f32 to vector<64x512xf32>
    %max3A_188 = arith.maximumf %max3A_187, %add3A_151 : vector<64x512xf32>
    %min3A_189 = vector.broadcast %jit3A_186 : f32 to vector<64x512xf32>
    %min3A_190 = arith.minimumf %min3A_189, %max3A_188 : vector<64x512xf32>
    %convert_element_type3A_191 = arith.fptosi %min3A_190 : vector<64x512xf32> to vector<64x512xi32>
    %jit3A_192 = arith.constant 0.000000e+00 : f32
    %jit3A_193 = arith.constant 9.900000e+01 : f32
    %max3A_194 = vector.broadcast %jit3A_192 : f32 to vector<64x512xf32>
    %max3A_195 = arith.maximumf %max3A_194, %add3A_154 : vector<64x512xf32>
    %min3A_196 = vector.broadcast %jit3A_193 : f32 to vector<64x512xf32>
    %min3A_197 = arith.minimumf %min3A_196, %max3A_195 : vector<64x512xf32>
    %convert_element_type3A_198 = arith.fptosi %min3A_197 : vector<64x512xf32> to vector<64x512xi32>
    %mul3A_199 = arith.constant 100 : i32
    %mul3A_200 = vector.broadcast %mul3A_199 : i32 to vector<64x512xi32>
    %mul3A_201 = arith.muli %convert_element_type3A_198, %mul3A_200 : vector<64x512xi32>
    %add3A_202 = arith.addi %mul3A_99, %mul3A_201 : vector<64x512xi32>
    %add3A_203 = arith.addi %add3A_202, %convert_element_type3A_191 : vector<64x512xi32>
    %add3A_204 = arith.constant 0.000000e+00 : f32
    %add3A_205 = vector.broadcast %add3A_204 : f32 to vector<64x512xf32>
    %add3A_206 = arith.addf %floor3A, %add3A_205 : vector<64x512xf32>
    %add3A_207 = arith.constant 1.000000e+00 : f32
    %add3A_208 = vector.broadcast %add3A_207 : f32 to vector<64x512xf32>
    %add3A_209 = arith.addf %floor3A_67, %add3A_208 : vector<64x512xf32>
    %sub3A_210 = arith.subf %sub3A_58, %add3A_206 : vector<64x512xf32>
    %abs3A_211 = math.absf %sub3A_210 : vector<64x512xf32>
    %sub3A_212 = arith.constant 1.000000e+00 : f32
    %sub3A_213 = vector.broadcast %sub3A_212 : f32 to vector<64x512xf32>
    %sub3A_214 = arith.subf %sub3A_213, %abs3A_211 : vector<64x512xf32>
    %sub3A_215 = arith.subf %sub3A_66, %add3A_209 : vector<64x512xf32>
    %abs3A_216 = math.absf %sub3A_215 : vector<64x512xf32>
    %sub3A_217 = arith.constant 1.000000e+00 : f32
    %sub3A_218 = vector.broadcast %sub3A_217 : f32 to vector<64x512xf32>
    %sub3A_219 = arith.subf %sub3A_218, %abs3A_216 : vector<64x512xf32>
    %mul3A_220 = arith.mulf %sub3A_214, %sub3A_219 : vector<64x512xf32>
    %ge3A_221 = arith.constant 0.000000e+00 : f32
    %ge3A_222 = vector.broadcast %ge3A_221 : f32 to vector<64x512xf32>
    %ge3A_223 = arith.cmpf oge, %add3A_206, %ge3A_222 : vector<64x512xf32>
    %lt3A_224 = arith.constant 1.000000e+02 : f32
    %lt3A_225 = vector.broadcast %lt3A_224 : f32 to vector<64x512xf32>
    %lt3A_226 = arith.cmpf olt, %add3A_206, %lt3A_225 : vector<64x512xf32>
    %and3A_227 = arith.andi %ge3A_223, %lt3A_226 : vector<64x512xi1>
    %ge3A_228 = arith.constant 0.000000e+00 : f32
    %ge3A_229 = vector.broadcast %ge3A_228 : f32 to vector<64x512xf32>
    %ge3A_230 = arith.cmpf oge, %add3A_209, %ge3A_229 : vector<64x512xf32>
    %and3A_231 = arith.andi %and3A_227, %ge3A_230 : vector<64x512xi1>
    %lt3A_232 = arith.constant 1.000000e+02 : f32
    %lt3A_233 = vector.broadcast %lt3A_232 : f32 to vector<64x512xf32>
    %lt3A_234 = arith.cmpf olt, %add3A_209, %lt3A_233 : vector<64x512xf32>
    %and3A_235 = arith.andi %and3A_231, %lt3A_234 : vector<64x512xi1>
    %convert_element_type3A_236 = arith.extui %and3A_235 : vector<64x512xi1> to vector<64x512xi32>
    %convert_element_type3A_237 = arith.sitofp %convert_element_type3A_236 : vector<64x512xi32> to vector<64x512xf32>
    %mul3A_238 = arith.mulf %mul3A_220, %convert_element_type3A_237 : vector<64x512xf32>
    %mul3A_239 = arith.mulf %mul3A_238, %reshape3A_35 : vector<64x512xf32>
    %jit3A_240 = arith.constant 0.000000e+00 : f32
    %jit3A_241 = arith.constant 9.900000e+01 : f32
    %max3A_242 = vector.broadcast %jit3A_240 : f32 to vector<64x512xf32>
    %max3A_243 = arith.maximumf %max3A_242, %add3A_206 : vector<64x512xf32>
    %min3A_244 = vector.broadcast %jit3A_241 : f32 to vector<64x512xf32>
    %min3A_245 = arith.minimumf %min3A_244, %max3A_243 : vector<64x512xf32>
    %convert_element_type3A_246 = arith.fptosi %min3A_245 : vector<64x512xf32> to vector<64x512xi32>
    %jit3A_247 = arith.constant 0.000000e+00 : f32
    %jit3A_248 = arith.constant 9.900000e+01 : f32
    %max3A_249 = vector.broadcast %jit3A_247 : f32 to vector<64x512xf32>
    %max3A_250 = arith.maximumf %max3A_249, %add3A_209 : vector<64x512xf32>
    %min3A_251 = vector.broadcast %jit3A_248 : f32 to vector<64x512xf32>
    %min3A_252 = arith.minimumf %min3A_251, %max3A_250 : vector<64x512xf32>
    %convert_element_type3A_253 = arith.fptosi %min3A_252 : vector<64x512xf32> to vector<64x512xi32>
    %mul3A_254 = arith.constant 100 : i32
    %mul3A_255 = vector.broadcast %mul3A_254 : i32 to vector<64x512xi32>
    %mul3A_256 = arith.muli %convert_element_type3A_253, %mul3A_255 : vector<64x512xi32>
    %add3A_257 = arith.addi %mul3A_99, %mul3A_256 : vector<64x512xi32>
    %add3A_258 = arith.addi %add3A_257, %convert_element_type3A_246 : vector<64x512xi32>
    %add3A_259 = arith.constant 1.000000e+00 : f32
    %add3A_260 = vector.broadcast %add3A_259 : f32 to vector<64x512xf32>
    %add3A_261 = arith.addf %floor3A, %add3A_260 : vector<64x512xf32>
    %add3A_262 = arith.constant 1.000000e+00 : f32
    %add3A_263 = vector.broadcast %add3A_262 : f32 to vector<64x512xf32>
    %add3A_264 = arith.addf %floor3A_67, %add3A_263 : vector<64x512xf32>
    %sub3A_265 = arith.subf %sub3A_58, %add3A_261 : vector<64x512xf32>
    %abs3A_266 = math.absf %sub3A_265 : vector<64x512xf32>
    %sub3A_267 = arith.constant 1.000000e+00 : f32
    %sub3A_268 = vector.broadcast %sub3A_267 : f32 to vector<64x512xf32>
    %sub3A_269 = arith.subf %sub3A_268, %abs3A_266 : vector<64x512xf32>
    %sub3A_270 = arith.subf %sub3A_66, %add3A_264 : vector<64x512xf32>
    %abs3A_271 = math.absf %sub3A_270 : vector<64x512xf32>
    %sub3A_272 = arith.constant 1.000000e+00 : f32
    %sub3A_273 = vector.broadcast %sub3A_272 : f32 to vector<64x512xf32>
    %sub3A_274 = arith.subf %sub3A_273, %abs3A_271 : vector<64x512xf32>
    %mul3A_275 = arith.mulf %sub3A_269, %sub3A_274 : vector<64x512xf32>
    %ge3A_276 = arith.constant 0.000000e+00 : f32
    %ge3A_277 = vector.broadcast %ge3A_276 : f32 to vector<64x512xf32>
    %ge3A_278 = arith.cmpf oge, %add3A_261, %ge3A_277 : vector<64x512xf32>
    %lt3A_279 = arith.constant 1.000000e+02 : f32
    %lt3A_280 = vector.broadcast %lt3A_279 : f32 to vector<64x512xf32>
    %lt3A_281 = arith.cmpf olt, %add3A_261, %lt3A_280 : vector<64x512xf32>
    %and3A_282 = arith.andi %ge3A_278, %lt3A_281 : vector<64x512xi1>
    %ge3A_283 = arith.constant 0.000000e+00 : f32
    %ge3A_284 = vector.broadcast %ge3A_283 : f32 to vector<64x512xf32>
    %ge3A_285 = arith.cmpf oge, %add3A_264, %ge3A_284 : vector<64x512xf32>
    %and3A_286 = arith.andi %and3A_282, %ge3A_285 : vector<64x512xi1>
    %lt3A_287 = arith.constant 1.000000e+02 : f32
    %lt3A_288 = vector.broadcast %lt3A_287 : f32 to vector<64x512xf32>
    %lt3A_289 = arith.cmpf olt, %add3A_264, %lt3A_288 : vector<64x512xf32>
    %and3A_290 = arith.andi %and3A_286, %lt3A_289 : vector<64x512xi1>
    %convert_element_type3A_291 = arith.extui %and3A_290 : vector<64x512xi1> to vector<64x512xi32>
    %convert_element_type3A_292 = arith.sitofp %convert_element_type3A_291 : vector<64x512xi32> to vector<64x512xf32>
    %mul3A_293 = arith.mulf %mul3A_275, %convert_element_type3A_292 : vector<64x512xf32>
    %mul3A_294 = arith.mulf %mul3A_293, %reshape3A_35 : vector<64x512xf32>
    %jit3A_295 = arith.constant 0.000000e+00 : f32
    %jit3A_296 = arith.constant 9.900000e+01 : f32
    %max3A_297 = vector.broadcast %jit3A_295 : f32 to vector<64x512xf32>
    %max3A_298 = arith.maximumf %max3A_297, %add3A_261 : vector<64x512xf32>
    %min3A_299 = vector.broadcast %jit3A_296 : f32 to vector<64x512xf32>
    %min3A_300 = arith.minimumf %min3A_299, %max3A_298 : vector<64x512xf32>
    %convert_element_type3A_301 = arith.fptosi %min3A_300 : vector<64x512xf32> to vector<64x512xi32>
    %jit3A_302 = arith.constant 0.000000e+00 : f32
    %jit3A_303 = arith.constant 9.900000e+01 : f32
    %max3A_304 = vector.broadcast %jit3A_302 : f32 to vector<64x512xf32>
    %max3A_305 = arith.maximumf %max3A_304, %add3A_264 : vector<64x512xf32>
    %min3A_306 = vector.broadcast %jit3A_303 : f32 to vector<64x512xf32>
    %min3A_307 = arith.minimumf %min3A_306, %max3A_305 : vector<64x512xf32>
    %convert_element_type3A_308 = arith.fptosi %min3A_307 : vector<64x512xf32> to vector<64x512xi32>
    %mul3A_309 = arith.constant 100 : i32
    %mul3A_310 = vector.broadcast %mul3A_309 : i32 to vector<64x512xi32>
    %mul3A_311 = arith.muli %convert_element_type3A_308, %mul3A_310 : vector<64x512xi32>
    %add3A_312 = arith.addi %mul3A_99, %mul3A_311 : vector<64x512xi32>
    %add3A_313 = arith.addi %add3A_312, %convert_element_type3A_301 : vector<64x512xi32>
    %concatenate3A = tpu.concatenate %mul3A_131, %mul3A_184, %mul3A_239, %mul3A_294 in 0 : vector<64x512xf32>, vector<64x512xf32>, vector<64x512xf32>, vector<64x512xf32> -> vector<256x512xf32>
    %swap3A = arith.constant 0 : index
    %swap3A_314 = arith.constant 0 : index
    %swap3A_315 = arith.constant 0 : index
    %swap3A_316 = vector.load %arg11[%swap3A, %swap3A_314, %swap3A_315] : memref<1x256x512xf32, #tpu.memory_space<vmem>>, vector<1x256x512xf32>
    %swap3A_317 = vector.shape_cast %swap3A_316 : vector<1x256x512xf32> to vector<256x512xf32>
    %swap3A_318 = vector.shape_cast %concatenate3A : vector<256x512xf32> to vector<1x256x512xf32>
    tpu.vector_store %arg11[%swap3A, %swap3A_314, %swap3A_315], %swap3A_318 {strides = array<i32>} : memref<1x256x512xf32, #tpu.memory_space<vmem>>, vector<1x256x512xf32>,
    %concatenate3A_319 = tpu.concatenate %add3A_148, %add3A_203, %add3A_258, %add3A_313 in 0 : vector<64x512xi32>, vector<64x512xi32>, vector<64x512xi32>, vector<64x512xi32> -> vector<256x512xi32>
    %swap3A_320 = arith.constant 0 : index
    %swap3A_321 = arith.constant 0 : index
    %swap3A_322 = arith.constant 0 : index
    %swap3A_323 = vector.load %arg12[%swap3A_320, %swap3A_321, %swap3A_322] : memref<1x256x512xi32, #tpu.memory_space<vmem>>, vector<1x256x512xi32>
    %swap3A_324 = vector.shape_cast %swap3A_323 : vector<1x256x512xi32> to vector<256x512xi32>
    %swap3A_325 = vector.shape_cast %concatenate3A_319 : vector<256x512xi32> to vector<1x256x512xi32>
    tpu.vector_store %arg12[%swap3A_320, %swap3A_321, %swap3A_322], %swap3A_325 {strides = array<i32>} : memref<1x256x512xi32, #tpu.memory_space<vmem>>, vector<1x256x512xi32>,
    return
  }
  func.func @transform_0(%arg0: i32, %arg1: i32) -> (i32, i32) {
    %c0_i32 = arith.constant 0 : i32
    %c0_i32_0 = arith.constant 0 : i32
    return %c0_i32, %arg1 : i32, i32
  }
  func.func @transform_1(%arg0: i32, %arg1: i32) -> (i32, i32, i32) {
    %c0_i32 = arith.constant 0 : i32
    %c0_i32_0 = arith.constant 0 : i32
    return %arg0, %c0_i32, %arg1 : i32, i32, i32
  }
  func.func @transform_2(%arg0: i32, %arg1: i32) -> (i32, i32, i32) {
    %c0_i32 = arith.constant 0 : i32
    %c0_i32_0 = arith.constant 0 : i32
    return %arg0, %c0_i32, %arg1 : i32, i32, i32
  }
  func.func @transform_3(%arg0: i32, %arg1: i32) -> (i32, i32) {
    %c0_i32 = arith.constant 0 : i32
    %c0_i32_0 = arith.constant 0 : i32
    %c0_i32_1 = arith.constant 0 : i32
    return %c0_i32, %c0_i32_0 : i32, i32
  }
  func.func @transform_4(%arg0: i32, %arg1: i32) -> (i32, i32) {
    %c0_i32 = arith.constant 0 : i32
    %c0_i32_0 = arith.constant 0 : i32
    %c0_i32_1 = arith.constant 0 : i32
    return %c0_i32, %c0_i32_0 : i32, i32
  }
  func.func @transform_5(%arg0: i32, %arg1: i32) -> (i32, i32) {
    %c0_i32 = arith.constant 0 : i32
    %c0_i32_0 = arith.constant 0 : i32
    %c0_i32_1 = arith.constant 0 : i32
    return %c0_i32, %c0_i32_0 : i32, i32
  }
  func.func @transform_6(%arg0: i32, %arg1: i32) -> (i32, i32) {
    %c0_i32 = arith.constant 0 : i32
    %c0_i32_0 = arith.constant 0 : i32
    %c0_i32_1 = arith.constant 0 : i32
    return %c0_i32, %c0_i32_0 : i32, i32
  }
  func.func @transform_7(%arg0: i32, %arg1: i32) -> (i32, i32) {
    %c0_i32 = arith.constant 0 : i32
    %c0_i32_0 = arith.constant 0 : i32
    %c0_i32_1 = arith.constant 0 : i32
    return %c0_i32, %c0_i32_0 : i32, i32
  }
  func.func @transform_8(%arg0: i32, %arg1: i32) -> (i32, i32) {
    %c0_i32 = arith.constant 0 : i32
    %c0_i32_0 = arith.constant 0 : i32
    %c0_i32_1 = arith.constant 0 : i32
    return %c0_i32, %c0_i32_0 : i32, i32
  }
  func.func @transform_9(%arg0: i32, %arg1: i32) -> (i32, i32, i32) {
    %c0_i32 = arith.constant 0 : i32
    %c0_i32_0 = arith.constant 0 : i32
    return %arg0, %c0_i32, %arg1 : i32, i32, i32
  }
  func.func @transform_10(%arg0: i32, %arg1: i32) -> (i32, i32, i32) {
    %c0_i32 = arith.constant 0 : i32
    %c0_i32_0 = arith.constant 0 : i32
    return %arg0, %c0_i32, %arg1 : i32, i32, i32
  }
}

module attributes {stable_mosaic.version = 14 : i64} {
  func.func @_vproj_body(%arg0: i32, %arg1: memref<2000x256xf32, #tpu.memory_space<vmem>>, %arg2: memref<256x256xf32, #tpu.memory_space<vmem>>, %arg3: memref<1x256xf32, #tpu.memory_space<vmem>>, %arg4: memref<2000x256xf32, #tpu.memory_space<vmem>>) attributes {dimension_semantics = [#tpu.dimension_semantics<arbitrary>], iteration_bounds = array<i64: 10>, scalar_prefetch = 0 : i64, scratch_operands = 0 : i64, tpu.core_type = #tpu.core_type<tc>, window_params = [{transform_indices = @transform_0, window_bounds = array<i64: 2000, 256>}, {pipeline_mode = #tpu.pipeline_mode<synchronous>, transform_indices = @transform_1, window_bounds = array<i64: 256, 256>}, {pipeline_mode = #tpu.pipeline_mode<synchronous>, transform_indices = @transform_2, window_bounds = array<i64: 1, 256>}, {transform_indices = @transform_3, window_bounds = array<i64: 2000, 256>}]} {
    %get3A = arith.constant 0 : index
    %get3A_0 = arith.constant 0 : index
    %get3A_1 = vector.load %arg1[%get3A, %get3A_0] : memref<2000x256xf32, #tpu.memory_space<vmem>>, vector<2000x256xf32>
    %get3A_2 = arith.constant 0 : index
    %get3A_3 = arith.constant 0 : index
    %get3A_4 = vector.load %arg2[%get3A_2, %get3A_3] : memref<256x256xf32, #tpu.memory_space<vmem>>, vector<256x256xf32>
    %dot_general3A = arith.constant dense<0.000000e+00> : vector<2000x256xf32>
    %dot_general3A_5 = tpu.matmul %get3A_1, %get3A_4, %dot_general3A {dimension_numbers = #tpu.dot_dimension_numbers<[1], [0], [0], [1], [0, 0, 1, 1], [], []>, transpose_lhs_hint = false} : vector<2000x256xf32>, vector<256x256xf32>, vector<2000x256xf32> -> vector<2000x256xf32>
    %get3A_6 = arith.constant 0 : index
    %get3A_7 = arith.constant 0 : index
    %get3A_8 = vector.load %arg3[%get3A_6, %get3A_7] : memref<1x256xf32, #tpu.memory_space<vmem>>, vector<1x256xf32>
    %add3A = vector.broadcast %get3A_8 : vector<1x256xf32> to vector<2000x256xf32>
    %add3A_9 = arith.addf %dot_general3A_5, %add3A : vector<2000x256xf32>
    %swap3A = arith.constant 0 : index
    %swap3A_10 = arith.constant 0 : index
    %swap3A_11 = vector.load %arg4[%swap3A, %swap3A_10] : memref<2000x256xf32, #tpu.memory_space<vmem>>, vector<2000x256xf32>
    tpu.vector_store %arg4[%swap3A, %swap3A_10], %add3A_9 {strides = array<i32>} : memref<2000x256xf32, #tpu.memory_space<vmem>>, vector<2000x256xf32>,
    return
  }
  func.func @transform_0(%arg0: i32) -> (i32, i32) {
    %c0_i32 = arith.constant 0 : i32
    %c0_i32_0 = arith.constant 0 : i32
    return %arg0, %c0_i32 : i32, i32
  }
  func.func @transform_1(%arg0: i32) -> (i32, i32) {
    %c0_i32 = arith.constant 0 : i32
    %c0_i32_0 = arith.constant 0 : i32
    %c0_i32_1 = arith.constant 0 : i32
    return %c0_i32, %c0_i32_0 : i32, i32
  }
  func.func @transform_2(%arg0: i32) -> (i32, i32) {
    %c0_i32 = arith.constant 0 : i32
    %c0_i32_0 = arith.constant 0 : i32
    %c0_i32_1 = arith.constant 0 : i32
    return %c0_i32, %c0_i32_0 : i32, i32
  }
  func.func @transform_3(%arg0: i32) -> (i32, i32) {
    %c0_i32 = arith.constant 0 : i32
    %c0_i32_0 = arith.constant 0 : i32
    return %arg0, %c0_i32 : i32, i32
  }
}

module attributes {stable_mosaic.version = 14 : i64} {
  func.func @_combine_body(%arg0: i32, %arg1: memref<2x256x4096xf32, #tpu.memory_space<vmem>>, %arg2: memref<2x256x128xf32, #tpu.memory_space<vmem>>, %arg3: memref<128x4096xf32, #tpu.memory_space<vmem>>, %arg4: memref<256x128xf32, #tpu.memory_space<vmem>>, %arg5: memref<256x256xf32, #tpu.memory_space<vmem>>, %arg6: memref<256x1xf32, #tpu.memory_space<vmem>>, %arg7: memref<256x128xf32, #tpu.memory_space<vmem>>) attributes {dimension_semantics = [#tpu.dimension_semantics<arbitrary>], iteration_bounds = array<i64: 80>, scalar_prefetch = 0 : i64, scratch_operands = 0 : i64, tpu.core_type = #tpu.core_type<tc>, window_params = [{transform_indices = @transform_0, window_bounds = array<i64: 2, 256, 4096>}, {transform_indices = @transform_1, window_bounds = array<i64: 2, 256, 128>}, {pipeline_mode = #tpu.pipeline_mode<synchronous>, transform_indices = @transform_2, window_bounds = array<i64: 128, 4096>}, {transform_indices = @transform_3, window_bounds = array<i64: 256, 128>}, {pipeline_mode = #tpu.pipeline_mode<synchronous>, transform_indices = @transform_4, window_bounds = array<i64: 256, 256>}, {pipeline_mode = #tpu.pipeline_mode<synchronous>, transform_indices = @transform_5, window_bounds = array<i64: 256, 1>}, {transform_indices = @transform_6, window_bounds = array<i64: 256, 128>}]} {
    %get3A = arith.constant 0 : index
    %get3A_0 = arith.constant 0 : index
    %get3A_1 = arith.constant 0 : index
    %get3A_2 = vector.load %arg2[%get3A, %get3A_0, %get3A_1] : memref<2x256x128xf32, #tpu.memory_space<vmem>>, vector<1x256x128xf32>
    %get3A_3 = vector.shape_cast %get3A_2 : vector<1x256x128xf32> to vector<256x128xf32>
    %get3A_4 = arith.constant 0 : index
    %get3A_5 = arith.constant 0 : index
    %get3A_6 = vector.load %arg3[%get3A_4, %get3A_5] : memref<128x4096xf32, #tpu.memory_space<vmem>>, vector<128x4096xf32>
    %dot_general3A = arith.constant dense<0.000000e+00> : vector<256x4096xf32>
    %dot_general3A_7 = tpu.matmul %get3A_3, %get3A_6, %dot_general3A {dimension_numbers = #tpu.dot_dimension_numbers<[1], [0], [0], [1], [0, 0, 1, 1], [], []>, transpose_lhs_hint = false} : vector<256x128xf32>, vector<128x4096xf32>, vector<256x4096xf32> -> vector<256x4096xf32>
    %get3A_8 = arith.constant 0 : index
    %get3A_9 = arith.constant 0 : index
    %get3A_10 = arith.constant 0 : index
    %get3A_11 = vector.load %arg1[%get3A_8, %get3A_9, %get3A_10] : memref<2x256x4096xf32, #tpu.memory_space<vmem>>, vector<1x256x4096xf32>
    %get3A_12 = vector.shape_cast %get3A_11 : vector<1x256x4096xf32> to vector<256x4096xf32>
    %mul3A = arith.mulf %get3A_12, %dot_general3A_7 : vector<256x4096xf32>
    %reshape3A = vector.shape_cast %mul3A : vector<256x4096xf32> to vector<4x64x4096xf32>
    %reduce_sum3A = arith.constant dense<0.000000e+00> : vector<64x4096xf32>
    %reduce_sum3A_13 = vector.multi_reduction <add>, %reshape3A, %reduce_sum3A [0] : vector<4x64x4096xf32> to vector<64x4096xf32>
    %reshape3A_14 = vector.shape_cast %reduce_sum3A_13 : vector<64x4096xf32> to vector<8x8x4096xf32>
    %reduce_sum3A_15 = arith.constant dense<0.000000e+00> : vector<8x4096xf32>
    %reduce_sum3A_16 = vector.multi_reduction <add>, %reshape3A_14, %reduce_sum3A_15 [1] : vector<8x8x4096xf32> to vector<8x4096xf32>
    %get3A_17 = arith.constant 1 : index
    %get3A_18 = arith.constant 0 : index
    %get3A_19 = arith.constant 0 : index
    %get3A_20 = vector.load %arg2[%get3A_17, %get3A_18, %get3A_19] : memref<2x256x128xf32, #tpu.memory_space<vmem>>, vector<1x256x128xf32>
    %get3A_21 = vector.shape_cast %get3A_20 : vector<1x256x128xf32> to vector<256x128xf32>
    %get3A_22 = arith.constant 0 : index
    %get3A_23 = arith.constant 0 : index
    %get3A_24 = vector.load %arg3[%get3A_22, %get3A_23] : memref<128x4096xf32, #tpu.memory_space<vmem>>, vector<128x4096xf32>
    %dot_general3A_25 = arith.constant dense<0.000000e+00> : vector<256x4096xf32>
    %dot_general3A_26 = tpu.matmul %get3A_21, %get3A_24, %dot_general3A_25 {dimension_numbers = #tpu.dot_dimension_numbers<[1], [0], [0], [1], [0, 0, 1, 1], [], []>, transpose_lhs_hint = false} : vector<256x128xf32>, vector<128x4096xf32>, vector<256x4096xf32> -> vector<256x4096xf32>
    %get3A_27 = arith.constant 1 : index
    %get3A_28 = arith.constant 0 : index
    %get3A_29 = arith.constant 0 : index
    %get3A_30 = vector.load %arg1[%get3A_27, %get3A_28, %get3A_29] : memref<2x256x4096xf32, #tpu.memory_space<vmem>>, vector<1x256x4096xf32>
    %get3A_31 = vector.shape_cast %get3A_30 : vector<1x256x4096xf32> to vector<256x4096xf32>
    %mul3A_32 = arith.mulf %get3A_31, %dot_general3A_26 : vector<256x4096xf32>
    %reshape3A_33 = vector.shape_cast %mul3A_32 : vector<256x4096xf32> to vector<4x64x4096xf32>
    %reduce_sum3A_34 = arith.constant dense<0.000000e+00> : vector<64x4096xf32>
    %reduce_sum3A_35 = vector.multi_reduction <add>, %reshape3A_33, %reduce_sum3A_34 [0] : vector<4x64x4096xf32> to vector<64x4096xf32>
    %reshape3A_36 = vector.shape_cast %reduce_sum3A_35 : vector<64x4096xf32> to vector<8x8x4096xf32>
    %reduce_sum3A_37 = arith.constant dense<0.000000e+00> : vector<8x4096xf32>
    %reduce_sum3A_38 = vector.multi_reduction <add>, %reshape3A_36, %reduce_sum3A_37 [1] : vector<8x8x4096xf32> to vector<8x4096xf32>
    %add3A = arith.addf %reduce_sum3A_16, %reduce_sum3A_38 : vector<8x4096xf32>
    %mul3A_39 = arith.constant 5.000000e-01 : f32
    %mul3A_40 = vector.broadcast %mul3A_39 : f32 to vector<8x4096xf32>
    %mul3A_41 = arith.mulf %add3A, %mul3A_40 : vector<8x4096xf32>
    %reshape3A_42 = vector.shape_cast %mul3A_41 : vector<8x4096xf32> to vector<8x128x32xf32>
    %transpose3A = tpu.transpose %reshape3A_42, [0, 2, 1] : vector<8x128x32xf32> -> vector<8x32x128xf32>
    %reshape3A_43 = vector.shape_cast %transpose3A : vector<8x32x128xf32> to vector<256x128xf32>
    %get3A_44 = arith.constant 0 : index
    %get3A_45 = arith.constant 0 : index
    %get3A_46 = vector.load %arg5[%get3A_44, %get3A_45] : memref<256x256xf32, #tpu.memory_space<vmem>>, vector<256x256xf32>
    %dot_general3A_47 = arith.constant dense<0.000000e+00> : vector<256x128xf32>
    %dot_general3A_48 = tpu.matmul %get3A_46, %reshape3A_43, %dot_general3A_47 {dimension_numbers = #tpu.dot_dimension_numbers<[1], [0], [0], [1], [0, 0, 1, 1], [], []>, transpose_lhs_hint = false} : vector<256x256xf32>, vector<256x128xf32>, vector<256x128xf32> -> vector<256x128xf32>
    %get3A_49 = arith.constant 0 : index
    %get3A_50 = arith.constant 0 : index
    %get3A_51 = vector.load %arg6[%get3A_49, %get3A_50] : memref<256x1xf32, #tpu.memory_space<vmem>>, vector<256x1xf32>
    %add3A_52 = vector.broadcast %get3A_51 : vector<256x1xf32> to vector<256x128xf32>
    %add3A_53 = arith.addf %dot_general3A_48, %add3A_52 : vector<256x128xf32>
    %get3A_54 = arith.constant 0 : index
    %get3A_55 = arith.constant 0 : index
    %get3A_56 = vector.load %arg4[%get3A_54, %get3A_55] : memref<256x128xf32, #tpu.memory_space<vmem>>, vector<256x128xf32>
    %add3A_57 = arith.addf %add3A_53, %get3A_56 : vector<256x128xf32>
    %swap3A = arith.constant 0 : index
    %swap3A_58 = arith.constant 0 : index
    %swap3A_59 = vector.load %arg7[%swap3A, %swap3A_58] : memref<256x128xf32, #tpu.memory_space<vmem>>, vector<256x128xf32>
    tpu.vector_store %arg7[%swap3A, %swap3A_58], %add3A_57 {strides = array<i32>} : memref<256x128xf32, #tpu.memory_space<vmem>>, vector<256x128xf32>,
    return
  }
  func.func @transform_0(%arg0: i32) -> (i32, i32, i32) {
    %c0_i32 = arith.constant 0 : i32
    %c0_i32_0 = arith.constant 0 : i32
    %c0_i32_1 = arith.constant 0 : i32
    return %c0_i32, %c0_i32_0, %arg0 : i32, i32, i32
  }
  func.func @transform_1(%arg0: i32) -> (i32, i32, i32) {
    %c0_i32 = arith.constant 0 : i32
    %c0_i32_0 = arith.constant 0 : i32
    %c0_i32_1 = arith.constant 0 : i32
    return %c0_i32, %c0_i32_0, %arg0 : i32, i32, i32
  }
  func.func @transform_2(%arg0: i32) -> (i32, i32) {
    %c0_i32 = arith.constant 0 : i32
    %c0_i32_0 = arith.constant 0 : i32
    %c0_i32_1 = arith.constant 0 : i32
    return %c0_i32, %c0_i32_0 : i32, i32
  }
  func.func @transform_3(%arg0: i32) -> (i32, i32) {
    %c0_i32 = arith.constant 0 : i32
    %c0_i32_0 = arith.constant 0 : i32
    return %c0_i32, %arg0 : i32, i32
  }
  func.func @transform_4(%arg0: i32) -> (i32, i32) {
    %c0_i32 = arith.constant 0 : i32
    %c0_i32_0 = arith.constant 0 : i32
    %c0_i32_1 = arith.constant 0 : i32
    return %c0_i32, %c0_i32_0 : i32, i32
  }
  func.func @transform_5(%arg0: i32) -> (i32, i32) {
    %c0_i32 = arith.constant 0 : i32
    %c0_i32_0 = arith.constant 0 : i32
    %c0_i32_1 = arith.constant 0 : i32
    return %c0_i32, %c0_i32_0 : i32, i32
  }
  func.func @transform_6(%arg0: i32) -> (i32, i32) {
    %c0_i32 = arith.constant 0 : i32
    %c0_i32_0 = arith.constant 0 : i32
    return %c0_i32, %arg0 : i32, i32
  }
}

</mosaic_0001>

<sc_bundles>
// kernel: kernel.6.cloned.1.call-start
scs
__scs_entry_jumppad:
0x0: {  	(pc) =	sbr.rel $0x88, $3  }
0x1: {  	(tag) =	ssettag $0x0;
	lr =	simm.s32 $0x1  }
0x2: {  	[smem:$0x3F95] =	sst lr;
	_ =	strace $0xD0000000  }
0x3: {  	_ = 	snop  }
0x4: {  	_ = 	snop  }
0x5: {  	_ = 	snop  }
0x6: {  	_ = 	snop  }
0x7: {  	_ = 	snop  }
__scs_overlays_trampoline_lowered:
0x8: {  	[smem:$0x3FA4] =	sst s0  }
0x9: {  	[smem:$0x3FA5] =	sst s1  }
0xa: {  	[smem:$0x3FA6] =	sst s2  }
0xb: {  	[smem:$0x3FA7] =	sst s3  }
0xc: {  	[smem:$0x3FA8] =	sst s4  }
0xd: {  	[smem:$0x3FA9] =	sst s5  }
0xe: {  	[smem:$0x3FAA] =	sst s6  }
0xf: {  	[smem:$0x3FAB] =	sst s7  }
0x10: {  	[smem:$0x3FAC] =	sst s8  }
0x11: {  	[smem:$0x3FAD] =	sst s9;
	s0 =	simm.s32 @!p0 $0x0  }
0x12: {  	s1 =	sld [smem:$0x3F93];
	s0 =	simm.s32 @p0 $0x1  }
0x13: {  	[smem:$0x3FAE] =	sst s0;
	s0 =	simm.s32 @!p1 $0x0  }
0x14: {  	s2 =	sld [smem:$0x3F92];
	s0 =	simm.s32 @p1 $0x1  }
0x15: {  	[smem:$0x3FAF] =	sst s0;
	s0 =	simm.s32 @!p2 $0x0  }
0x16: {  	s3 =	sld [smem:$0x3FDB];
	s0 =	simm.s32 @p2 $0x1  }
0x17: {  	s4 =	simm.s32 $0x1BF5;
	[smem:$0x3FB1] =	sst s0  }
0x18: {  	s0 =	sld [smem:$0x3F94];
	_ =	swait.ge [sflag:s4], $0x0  }
0x19: {  	s7 =	sld [smem:$0x3F95]  }
0x1a: {  	s8 =	sadd.s32 $0xFFFFE003, lr  }
0x1b: {  	s9 =	sadd.s32 $0xFFFFFEF7, lr;
	s5 =	simm.s32 $0xFFFFFFFF;
	p2 =	slt.u32 s8, $0xFFFFF086  }
0x1c: {  	p1 =	slt.u32 s9, $0xF7A;
	s5 =	simm.s32 @!p2 $0x0  }
0x1d: {  	s5 =	simm.s32 @p1 $0x1;
	p0 =	seq.s32 s7, s2  }
0x1e: {  	s7 =	smul.u32 @!p0 $0xF7A, s2;
	p2 =	seq.s32 @!p0 s5, $0x0  }
0x1f: {  	s9 =	smul.u32 $0xF7A, s1;
	s8 =	simm.s32 @!p0 $0x1BF5;
	p2 =	por !p2, p0  }
0x20: {  	[sflag:s8] =	ssyncset.s32 @!p0 $0xFFFFF086;
	s6 =	sadd.s32 @!p0 s3, s7;
	s7 =	simm.s32 @!p0 $0x108  }
0x21: {  	s3 =	sadd.s32 s3, s9;
	s6 =	sadd.s32 @!p0 $0x88, s6;
	s7 =	simm.s32 @p2 $0x1082  }
0x22: {  	[simem:s7], [sflag:s8] =	dma.local @!p0 [hbm:s6], $0xF7A  }
0x23: {  	s9 =	sor.u32 $0xD0000000, s2;
	s6 =	simm.s32 $0x108;
	_ =	swait.ge @!p0 [sflag:s8], $0x0  }
0x24: {  	s3 =	sadd.s32 $0x88, s3;
	s6 =	simm.s32 @!p1 $0x1082;
	[sflag:s4] =	ssyncset.s32 $0xFFFFF086  }
0x25: {  	[simem:s6], [sflag:s4] =	dma.local [hbm:s3], $0xF7A  }
0x26: {  	[smem:$0x3F95] =	sst s1;
	(tag) =	ssettag s2;
	_ =	strace s9  }
0x27: {  	s1 =	sld [smem:$0x3FA5]  }
0x28: {  	s2 =	sld [smem:$0x3FA6]  }
0x29: {  	s4 =	sld [smem:$0x3FA8]  }
0x2a: {  	p0 =	seq.s32 s5, $0x0;
	s5 =	sld [smem:$0x3FA9]  }
0x2b: {  	s6 =	sld [smem:$0x3FAA]  }
0x2c: {  	s7 =	sld [smem:$0x3FAB]  }
0x2d: {  	s3 =	simm.s32 $0x108;
	s8 =	sld [smem:$0x3FAC]  }
0x2e: {  	s3 =	simm.s32 @!p0 $0x1082;
	s9 =	sld [smem:$0x3FAD]  }
0x2f: {  	lr =	sadd.s32 s0, s3;
	s0 =	sld [smem:$0x3FA4]  }
0x30: {  	s3 =	sld [smem:$0x3FA7]  }
0x31: {  	[smem:$0x3FB0] =	sst s10  }
0x32: {  	s10 =	sld [smem:$0x3FAE];
	_ =	sdelay $0x3  }
0x33: {  	p0 =	seq.s32 s10, $0x1;
	s10 =	sld [smem:$0x3FB0];
	_ =	sdelay $0x3  }
0x34: {  	[smem:$0x3FB0] =	sst s10  }
0x35: {  	s10 =	sld [smem:$0x3FAF];
	_ =	sdelay $0x3  }
0x36: {  	p1 =	seq.s32 s10, $0x1;
	s10 =	sld [smem:$0x3FB0];
	_ =	sdelay $0x3  }
0x37: {  	[smem:$0x3FB0] =	sst s10  }
0x38: {  	s10 =	sld [smem:$0x3FB1]  }
0x39: {  	_ = 	snop;
	(pc) =	sbr.ind lr, $3  }
0x3a: {  	_ = 	snop  }
0x3b: {  	_ = 	snop  }
0x3c: {  	p2 =	seq.s32 s10, $0x1;
	s10 =	sld [smem:$0x3FB0]  }
0x3d: {  	_ =	shalt  }
0x3e: {  	_ =	shalt  }
0x3f: {  	_ =	shalt  }
0x40: {  	_ =	shalt  }
0x41: {  	_ =	shalt  }
0x42: {  	_ =	shalt  }
0x43: {  	_ =	shalt  }
0x44: {  	_ =	shalt  }
0x45: {  	_ =	shalt  }
0x46: {  	_ =	shalt  }
0x47: {  	_ =	shalt  }
0x48: {  	_ =	shalt  }
0x49: {  	_ =	shalt  }
0x4a: {  	_ =	shalt  }
0x4b: {  	_ =	shalt  }
0x4c: {  	_ =	shalt  }
0x4d: {  	_ =	shalt  }
0x4e: {  	_ =	shalt  }
0x4f: {  	_ =	shalt  }
0x50: {  	_ =	shalt  }
0x51: {  	_ =	shalt  }
0x52: {  	_ =	shalt  }
0x53: {  	_ =	shalt  }
0x54: {  	_ =	shalt  }
0x55: {  	_ =	shalt  }
0x56: {  	_ =	shalt  }
0x57: {  	_ =	shalt  }
0x58: {  	_ =	shalt  }
0x59: {  	_ =	shalt  }
0x5a: {  	_ =	shalt  }
0x5b: {  	_ =	shalt  }
0x5c: {  	_ =	shalt  }
0x5d: {  	_ =	shalt  }
0x5e: {  	_ =	shalt  }
0x5f: {  	_ =	shalt  }
0x60: {  	_ =	shalt  }
0x61: {  	_ =	shalt  }
0x62: {  	_ =	shalt  }
0x63: {  	_ =	shalt  }
0x64: {  	_ =	shalt  }
0x65: {  	_ =	shalt  }
0x66: {  	_ =	shalt  }
0x67: {  	_ =	shalt  }
0x68: {  	_ =	shalt  }
0x69: {  	_ =	shalt  }
0x6a: {  	_ =	shalt  }
0x6b: {  	_ =	shalt  }
0x6c: {  	_ =	shalt  }
0x6d: {  	_ =	shalt  }
0x6e: {  	_ =	shalt  }
0x6f: {  	_ =	shalt  }
0x70: {  	_ =	shalt  }
0x71: {  	_ =	shalt  }
0x72: {  	_ =	shalt  }
0x73: {  	_ =	shalt  }
0x74: {  	_ =	shalt  }
0x75: {  	_ =	shalt  }
0x76: {  	_ =	shalt  }
0x77: {  	_ =	shalt  }
0x78: {  	_ =	shalt  }
0x79: {  	_ =	shalt  }
0x7a: {  	_ =	shalt  }
0x7b: {  	_ =	shalt  }
0x7c: {  	_ =	shalt  }
0x7d: {  	_ =	shalt  }
0x7e: {  	_ =	shalt  }
0x7f: {  	_ =	shalt  }
0x80: {  	_ =	shalt  }
0x81: {  	_ =	shalt  }
0x82: {  	_ =	shalt  }
0x83: {  	_ =	shalt  }
0x84: {  	_ =	shalt  }
0x85: {  	_ =	shalt  }
0x86: {  	_ =	shalt  }
0x87: {  	_ =	shalt  }
.Lfunc_end0:
.L_simem_size_0:
called_computation_lowered:
.L_overlay_start_0:
0x88: {  	s2 =	sld [smem:$0x3FD9]  }
0x89: {  	s3 =	sld [smem:$0x3FFE];
	_ =	sdelay $0x1  }
0x8a: {  	s1 =	srdreg.scid  }
0x8b: {  	s0 =	sand.u32 $0x1, s1  }
0x8c: {  	s16 =	sshll.u32 s0, $0xA;
	s2 =	sadd.s32 s3, s2  }
0x8d: {  	s2 =	sadd.s32 s2, s16  }
0x8e: {  	[smem:$0x3FBC] =	sst s2  }
0x8f: {  	_ = 	snop  }
0x90: {  	(tm) =	ssettm $0x1  }
0x91: {  	s17 =	sld [smem:$0x3FFB];
	_ =	sdelay $0x3  }
0x92: {  	_ =	strace s17  }
0x93: {  	s2 =	sld [smem:$0x3FFC];
	_ =	sdelay $0x3  }
0x94: {  	_ =	strace s2  }
0x95: {  	s2 =	sld [smem:$0x3FFD];
	_ =	sdelay $0x3  }
0x96: {  	_ =	strace s2  }
0x97: {  	_ =	strace $0x8FFFFFFF  }
0x98: {  	s18 =	sld [smem:$0x3FDB];
	_ =	sdelay $0x1  }
0x99: {  	s19 =	simm.s32 $_scs_section_size  }
0x9a: {  	s4 =	simm.s32 $_size__tile_overlayer_lowered;
	s5 =	simm.s32 $_tile_overlayer_lowered  }
0x9b: {  	s22 =	simm.s32 $0x1BFF;
	s21 =	sshll.u32 s5, $0x1;
	s2 =	sadd.s32 s19, s18  }
0x9c: {  	s6 =	simm.s32 $0x0;
	s20 =	sshll.u32 s4, $0x1;
	s4 =	sadd.s32 s21, s2  }
0x9d: {  	[timem:s6], [sflag:s22] =	dma.local [hbm:s4], s20  }
0x9e: {  	_ =	swait.ge [sflag:s22], s20  }
0x9f: {  	s3 =	ssub.s32 $0x0, s20;
	[sflag:s22] =	ssyncset.done $0x0  }
0xa0: {  	[sflag:s22] =	ssyncadd.s32 s3;
	_ =	sdelay $0x1  }
0xa1: {  	s23 =	simm.s32 $0x1B8B  }
0xa2: {  	_ =	swait.ge [sflag:s23], $0x1  }
0xa3: {  	[sflag:s23] =	ssyncset.done $0x0  }
0xa4: {  	s25 =	simm.s32 $0x1B8E;
	s24 =	sld [smem:$0x3FFE];
	[sflag:s23] =	ssyncadd.s32 $0xFFFFFFFF  }
0xa5: {  	s26 =	simm.s32 $execute0_lowered;
	[smem:$0x3FD2] =	sst s25  }
0xa6: {  	s4 =	sshll.u32 s26, $0x1;
	_ =	strace $0x80000046;
	[dreg:$0x1] =	wrdreg $0xFFFFFFFF  }
0xa7: {  	s28 =	simm.s32 $_size_execute0_lowered;
	s2 =	sadd.s32 s2, s4;
	[dreg:$0x0] =	wrdreg $0x0  }
0xa8: {  	s4 =	sshll.u32 s28, $0x1;
	[dreg:$0x2] =	wrdreg s2  }
0xa9: {  	[dreg:$0x3] =	wrdreg s4  }
0xaa: {  	[dreg:$0x4] =	wrdreg $0xC0  }
0xab: {  	_ =	task [dreg:s6], $0x5FFFF  }
0xac: {  	[dreg:$0x1] =	wrdreg $0xFFFFFFFF  }
0xad: {  	[dreg:$0x0] =	wrdreg $0x60  }
0xae: {  	[dreg:$0x2] =	wrdreg s24  }
0xaf: {  	[dreg:$0x3] =	wrdreg $0x9  }
0xb0: {  	_ =	task.clear_ibuf [dreg:s6], $0x4FFFF;
	_ =	strace $0x90000046  }
0xb1: {  	s29 =	simm.s32 $0x9;
	_ =	strace $0x80000048  }
0xb2: {  	_ =	swait.ge [sflag:s29], $0x1  }
0xb3: {  	[sflag:s29] =	ssyncadd.s32 $0xFFFFFFFF  }
0xb4: {  	_ =	strace $0x90000048  }
0xb5: {  	_ =	sfence  }
0xb6: {  	s30 =	sld [smem:$0x0];
	_ =	sdelay $0x2  }
0xb7: {  	s31 =	sshll.u32 s1, $0xD;
	s1 =	sshrl.u32 s1, $0x2  }
0xb8: {  	s3 =	sand.u32 $0x4000, s31;
	s1 =	sadd.s32 s1, s30  }
0xb9: {  	s0 =	sor.u32 s3, s0;
	s1 =	sshll.u32 s1, $0x11  }
0xba: {  	s0 =	sor.u32 s1, s0  }
0xbb: {  	s0 =	sadd.s32 $0x8F2B, s0  }
0xbc: {  	[sflag:s0] =	ssyncadd.remote.s32 $0x1  }
0xbd: {  	_ =	sfence.sel $0xFFFF  }
0xbe: {  	[dreg:$0x0] =	wrdreg $0xFFFFFFFF;
	(pc) =	sbr.abs _section_cstart, $3  }
0xbf: {  	[dreg:$0x1] =	wrdreg $0xFFFFFFFF  }
0xc0: {  	_ =	task.clear_ibuf [dreg:s6], $0x2FFFF;
	_ =	strace $0x9FFFFFFF  }
0xc1: {  	(tm) =	ssettm $0x7FFFFFFF  }
tec
execute0_lowered:
.L_overlay_start_1:
0x0: {  	(tag) =	ssettag $0x1  }
0x1: {  	s4 =	rddreg [dreg:$0x0]  }
0x2: {  	s0 =	rddreg [dreg:$0x1];
	s2 =	simm.s32 $0x0;
	s5 =	srdreg.scid  }
0x3: {  	s1 =	stileid.u32;
	s15 =	simm.s32 $0x100;
	s16 =	simm.s32 $0x180  }
0x4: {  	s17 =	simm.s32 $0x200;
	s18 =	simm.s32 $0x1200;
	s19 =	simm.s32 $0x2200  }
0x5: {  	s20 =	simm.s32 $0x3200;
	s21 =	simm.s32 $0x1;
	s22 =	simm.s32 $0x0  }
0x6: {  	[smem:$0x7FF] =	sst s2;
	s3 =	sadd.s32 $0x52200, s4;
	s6 =	smul.u32 $0x50000, s1  }
0x7: {  	s5 =	sand.u32 $0x1, s5;
	s12 =	sadd.s32 $0x192200, s4;
	s9 =	smul.u32 $0x140000, s1  }
0x8: {  	s10 =	sadd.s32 $0x232200, s4;
	s7 =	ssub.s32 $0x2, s5;
	s8 =	smul.u32 $0x28000, s5  }
0x9: {  	_ =	strace $0x80000047;
	s5 =	smul.u32 $0xA0000, s5;
	s23 =	sshrl.u32 s7, $0x1  }
0xa: {  	s24 =	sadd.s32 s9, s10;
	s4 =	ssub.s32 s7, s23;
	s11 =	sadd.s32 s8, s6  }
0xb: {  	s5 =	sadd.s32 s5, s24;
	s4 =	smax.u32 s4, $0x1;
	s25 =	sor.u32 $0x180, s11  }
0xc: {  	s8 =	sor.u32 $0x100, s11;
	s14 =	sor.u32 $0x80, s11;
	s31 =	sshrl.u32 s11, $0x3  }
0xd: {  	s26 =	sshll.u32 s25, $0x2;
	s7 =	sshrl.u32 s25, $0x3;
	s28 =	sshll.u32 s8, $0x2  }
0xe: {  	s13 =	sshrl.u32 s8, $0x3;
	s29 =	sshll.u32 s14, $0x2;
	s30 =	sshrl.u32 s14, $0x3  }
0xf: {  	s14 =	simm.s32 $0x80;
	s6 =	sadd.s32 s26, s10;
	s7 =	sadd.s32 s7, s12  }
0x10: {  	s8 =	sadd.s32 s28, s10;
	s9 =	sadd.s32 s13, s12;
	s10 =	sadd.s32 s29, s10  }
0x11: {  	s11 =	sadd.s32 s30, s12;
	s12 =	sadd.s32 s31, s12;
	s13 =	simm.s32 $0x2  }
.LBB2_1:
0x12: {  	[tilespmem:s2], [sflag:$0x2] =	stream.linear.gather [hbm4b:s12+s2], $0x80, $0x38;
	[tilespmem:$0x4200] =	vst v63  }
0x13: {  	_ =	swait.ge [sflag:s13], $0x80  }
0x14: {  	[sflag:s13] =	ssyncset.done $0x0  }
0x15: {  	[sflag:s13] =	ssyncadd.s32 $0xFFFFFF80  }
0x16: {  	[tilespmem:s14], [sflag:$0x2] =	stream.linear.gather [hbm4b:s11+s2], $0x80, $0x38;
	[tilespmem:$0x4200] =	vst v63  }
0x17: {  	_ =	swait.ge [sflag:s13], $0x80  }
0x18: {  	[sflag:s13] =	ssyncset.done $0x0  }
0x19: {  	[sflag:s13] =	ssyncadd.s32 $0xFFFFFF80  }
0x1a: {  	[tilespmem:s15], [sflag:$0x2] =	stream.linear.gather [hbm4b:s9+s2], $0x80, $0x38;
	[tilespmem:$0x4200] =	vst v63  }
0x1b: {  	_ =	swait.ge [sflag:s13], $0x80  }
0x1c: {  	[sflag:s13] =	ssyncset.done $0x0  }
0x1d: {  	[sflag:s13] =	ssyncadd.s32 $0xFFFFFF80  }
0x1e: {  	[tilespmem:s16], [sflag:$0x2] =	stream.linear.gather [hbm4b:s7+s2], $0x80, $0x38;
	[tilespmem:$0x4200] =	vst v63  }
0x1f: {  	_ =	swait.ge [sflag:s13], $0x80  }
0x20: {  	[sflag:s13] =	ssyncset.done $0x0  }
0x21: {  	[sflag:s13] =	ssyncadd.s32 $0xFFFFFF80  }
0x22: {  	[tilespmem:s17], [sflag:$0x1] =	stream.indirect.gather [hbm4b:s3+s14], $0x20, s2, s14, $0xb8;
	[tilespmem:$0x4200] =	vst v63  }
0x23: {  	_ = 	snop  }
0x24: {  	[tilespmem:s18], [sflag:$0x1] =	stream.indirect.gather [hbm4b:s3+s14], $0x20, s14, s14, $0xb8;
	[tilespmem:$0x4200] =	vst v63  }
0x25: {  	_ = 	snop  }
0x26: {  	[tilespmem:s19], [sflag:$0x1] =	stream.indirect.gather [hbm4b:s3+s14], $0x20, s15, s14, $0xb8;
	[tilespmem:$0x4200] =	vst v63  }
0x27: {  	_ = 	snop  }
0x28: {  	[tilespmem:s20], [sflag:$0x1] =	stream.indirect.gather [hbm4b:s3+s14], $0x20, s16, s14, $0xb8;
	[tilespmem:$0x4200] =	vst v63  }
0x29: {  	_ =	swait.ge [sflag:s21], $0x1000  }
0x2a: {  	[sflag:s21] =	ssyncset.done $0x0  }
0x2b: {  	[sflag:s21] =	ssyncadd.s32 $0xFFFFF000  }
0x2c: {  	_ =	swait.ge [sflag:s21], $0x1000  }
0x2d: {  	[sflag:s21] =	ssyncset.done $0x0  }
0x2e: {  	[sflag:s21] =	ssyncadd.s32 $0xFFFFF000  }
0x2f: {  	_ =	swait.ge [sflag:s21], $0x1000  }
0x30: {  	[sflag:s21] =	ssyncset.done $0x0  }
0x31: {  	[sflag:s21] =	ssyncadd.s32 $0xFFFFF000  }
0x32: {  	_ =	swait.ge [sflag:s21], $0x1000  }
0x33: {  	[sflag:s21] =	ssyncset.done $0x0  }
0x34: {  	s23 =	sadd.s32 $0x0, s5;
	[sflag:s21] =	ssyncadd.s32 $0xFFFFF000  }
0x35: {  	[hbm4b:s23+s2] =	stream.linear.scatter [tilespmem:s17], [sflag:$0x2], $0x1000, $0x38;
	[tilespmem:$0x4200] =	vst v63  }
0x36: {  	_ =	swait.ge [sflag:s13], $0x1000  }
0x37: {  	[sflag:s13] =	ssyncset.done $0x0  }
0x38: {  	s29 =	sadd.s32 $0x0, s10;
	[sflag:s13] =	ssyncadd.s32 $0xFFFFF000  }
0x39: {  	[hbm4b:s29+s2] =	stream.linear.scatter [tilespmem:s18], [sflag:$0x2], $0x1000, $0x38;
	[tilespmem:$0x4200] =	vst v63  }
0x3a: {  	_ =	swait.ge [sflag:s13], $0x1000  }
0x3b: {  	[sflag:s13] =	ssyncset.done $0x0  }
0x3c: {  	s30 =	sadd.s32 $0x0, s8;
	[sflag:s13] =	ssyncadd.s32 $0xFFFFF000  }
0x3d: {  	[hbm4b:s30+s2] =	stream.linear.scatter [tilespmem:s19], [sflag:$0x2], $0x1000, $0x38;
	[tilespmem:$0x4200] =	vst v63  }
0x3e: {  	_ =	swait.ge [sflag:s13], $0x1000  }
0x3f: {  	[sflag:s13] =	ssyncset.done $0x0  }
0x40: {  	s31 =	sadd.s32 $0x0, s6;
	s24 =	sadd.s32 $0x40, s11;
	[sflag:s13] =	ssyncadd.s32 $0xFFFFF000  }
0x41: {  	[hbm4b:s31+s2] =	stream.linear.scatter [tilespmem:s20], [sflag:$0x2], $0x1000, $0x38;
	[tilespmem:$0x4200] =	vst v63  }
0x42: {  	s25 =	sadd.s32 $0x40, s12;
	s26 =	smov.u32 s7;
	_ =	swait.ge [sflag:s13], $0x1000  }
0x43: {  	s28 =	smov.u32 s9;
	s23 =	simm.s32 $0x800;
	[sflag:s13] =	ssyncset.done $0x0  }
.LBB2_2:
0x44: {  	[sflag:s13] =	ssyncadd.s32 $0xFFFFF000  }
0x45: {  	s26 =	sadd.s32 $0x40, s26;
	s28 =	sadd.s32 $0x40, s28;
	s29 =	smov.u32 s23  }
0x46: {  	[tilespmem:s2], [sflag:$0x2] =	stream.linear.gather [hbm4b:s25+s2], $0x80, $0x38;
	[tilespmem:$0x4200] =	vst v63  }
0x47: {  	p0 =	sne.s32 s23, $0x9F800;
	s23 =	sadd.s32 $0x800, s23;
	_ =	swait.ge [sflag:s13], $0x80  }
0x48: {  	[sflag:s13] =	ssyncset.done $0x0  }
0x49: {  	[sflag:s13] =	ssyncadd.s32 $0xFFFFFF80  }
0x4a: {  	[tilespmem:s14], [sflag:$0x2] =	stream.linear.gather [hbm4b:s24+s2], $0x80, $0x38;
	[tilespmem:$0x4200] =	vst v63  }
0x4b: {  	_ =	swait.ge [sflag:s13], $0x80  }
0x4c: {  	[sflag:s13] =	ssyncset.done $0x0  }
0x4d: {  	[sflag:s13] =	ssyncadd.s32 $0xFFFFFF80  }
0x4e: {  	[tilespmem:s15], [sflag:$0x2] =	stream.linear.gather [hbm4b:s28+s2], $0x80, $0x38;
	[tilespmem:$0x4200] =	vst v63  }
0x4f: {  	_ =	swait.ge [sflag:s13], $0x80  }
0x50: {  	[sflag:s13] =	ssyncset.done $0x0  }
0x51: {  	[sflag:s13] =	ssyncadd.s32 $0xFFFFFF80  }
0x52: {  	[tilespmem:s16], [sflag:$0x2] =	stream.linear.gather [hbm4b:s26+s2], $0x80, $0x38;
	[tilespmem:$0x4200] =	vst v63  }
0x53: {  	_ =	swait.ge [sflag:s13], $0x80  }
0x54: {  	[sflag:s13] =	ssyncset.done $0x0  }
0x55: {  	[sflag:s13] =	ssyncadd.s32 $0xFFFFFF80  }
0x56: {  	[tilespmem:s17], [sflag:$0x1] =	stream.indirect.gather [hbm4b:s3+s14], $0x20, s2, s14, $0xb8;
	[tilespmem:$0x4200] =	vst v63  }
0x57: {  	_ = 	snop  }
0x58: {  	[tilespmem:s18], [sflag:$0x1] =	stream.indirect.gather [hbm4b:s3+s14], $0x20, s14, s14, $0xb8;
	[tilespmem:$0x4200] =	vst v63  }
0x59: {  	_ = 	snop  }
0x5a: {  	[tilespmem:s19], [sflag:$0x1] =	stream.indirect.gather [hbm4b:s3+s14], $0x20, s15, s14, $0xb8;
	[tilespmem:$0x4200] =	vst v63  }
0x5b: {  	_ = 	snop  }
0x5c: {  	[tilespmem:s20], [sflag:$0x1] =	stream.indirect.gather [hbm4b:s3+s14], $0x20, s16, s14, $0xb8;
	[tilespmem:$0x4200] =	vst v63  }
0x5d: {  	_ =	swait.ge [sflag:s21], $0x1000  }
0x5e: {  	[sflag:s21] =	ssyncset.done $0x0  }
0x5f: {  	[sflag:s21] =	ssyncadd.s32 $0xFFFFF000  }
0x60: {  	_ =	swait.ge [sflag:s21], $0x1000  }
0x61: {  	[sflag:s21] =	ssyncset.done $0x0  }
0x62: {  	[sflag:s21] =	ssyncadd.s32 $0xFFFFF000  }
0x63: {  	_ =	swait.ge [sflag:s21], $0x1000  }
0x64: {  	[sflag:s21] =	ssyncset.done $0x0  }
0x65: {  	[sflag:s21] =	ssyncadd.s32 $0xFFFFF000  }
0x66: {  	_ =	swait.ge [sflag:s21], $0x1000  }
0x67: {  	[sflag:s21] =	ssyncset.done $0x0  }
0x68: {  	s30 =	sadd.s32 s29, s5;
	[sflag:s21] =	ssyncadd.s32 $0xFFFFF000  }
0x69: {  	[hbm4b:s30+s2] =	stream.linear.scatter [tilespmem:s17], [sflag:$0x2], $0x1000, $0x38;
	[tilespmem:$0x4200] =	vst v63  }
0x6a: {  	_ =	swait.ge [sflag:s13], $0x1000  }
0x6b: {  	[sflag:s13] =	ssyncset.done $0x0  }
0x6c: {  	s30 =	sadd.s32 s29, s10;
	[sflag:s13] =	ssyncadd.s32 $0xFFFFF000  }
0x6d: {  	[hbm4b:s30+s2] =	stream.linear.scatter [tilespmem:s18], [sflag:$0x2], $0x1000, $0x38;
	[tilespmem:$0x4200] =	vst v63  }
0x6e: {  	_ =	swait.ge [sflag:s13], $0x1000  }
0x6f: {  	[sflag:s13] =	ssyncset.done $0x0  }
0x70: {  	s30 =	sadd.s32 s29, s8;
	[sflag:s13] =	ssyncadd.s32 $0xFFFFF000  }
0x71: {  	[hbm4b:s30+s2] =	stream.linear.scatter [tilespmem:s19], [sflag:$0x2], $0x1000, $0x38;
	[tilespmem:$0x4200] =	vst v63  }
0x72: {  	_ =	swait.ge [sflag:s13], $0x1000  }
.Ltmp0:
0x73: {  	[sflag:s13] =	ssyncset.done $0x0;
	(pc) =	sbr.rel @p0 .LBB2_2-.Ltmp0, $4  }
0x74: {  	s29 =	sadd.s32 s29, s6;
	[sflag:s13] =	ssyncadd.s32 $0xFFFFF000  }
0x75: {  	[hbm4b:s29+s2] =	stream.linear.scatter [tilespmem:s20], [sflag:$0x2], $0x1000, $0x38;
	[tilespmem:$0x4200] =	vst v63  }
0x76: {  	_ =	swait.ge [sflag:s13], $0x1000  }
0x77: {  	s25 =	sadd.s32 $0x40, s25;
	s24 =	sadd.s32 $0x40, s24;
	[sflag:s13] =	ssyncset.done $0x0  }
0x78: {  	s22 =	sadd.s32 $0x1, s22  }
0x79: {  	p0 =	sne.s32 s22, s4  }
.Ltmp1:
0x7a: {  	_ = 	snop;
	(pc) =	sbr.rel @p0 .LBB2_1-.Ltmp1, $2  }
0x7b: {  	_ =	sdelay $0x2  }
0x7c: {  	[sflag:s13] =	ssyncadd.s32 $0xFFFFF000  }
0x7d: {  	_ =	sfence.sel $0x180000  }
0x7e: {  	[bflag:$0x0] =	sbarrier.arrive $0xFFFF  }
0x7f: {  	p0 =	sne.s32 s1, $0x0;
	_ =	strace $0x90000047  }
0x80: {  	s0 =	sadd.s32 @!p0 $0x100000, s0;
	[bflag:$0x2] =	sbarrier.arrive $0xFFFF  }
0x81: {  	[sflag:s0] =	ssyncadd.tile.s32 @!p0 $0x1;
	_ =	shalt  }
.Lfunc_end2:
_tile_overlayer_lowered:
.L_overlay_start_2:
0x82: {  	(tag) =	ssettag $0x2  }
0x83: {  	s0 =	rddreg [dreg:$0x0];
	s2 =	stileid.u32  }
0x84: {  	s1 =	rddreg [dreg:$0x1];
	p0 =	sne.s32 s2, $0x0  }
0x85: {  	s3 =	rddreg [dreg:$0x2];
	[bflag:$0x3] =	sbarrier.arrive $0xFFFF;
	s2 =	simm.s32 @!p0 $0x1C02  }
0x86: {  	[timem:s3], [sflag:s2] =	dma.local @!p0 [hbm:s0], s1  }
0x87: {  	s0 =	simm.s32 @!p0 $0x2  }
0x88: {  	_ =	swait.ge @!p0 [sflag:s0], s1  }
0x89: {  	s1 =	ssub.s32 @!p0 $0x0, s1;
	[sflag:s0] =	ssyncset.done @!p0 $0x0  }
0x8a: {  	[sflag:s0] =	ssyncadd.s32 @!p0 s1  }
0x8b: {  	[bflag:$0x3] =	sbarrier.arrive $0xFFFF  }
0x8c: {  	_ =	shalt  }

</sc_bundles>
